<compile_context>
chip_gen: v7x
topology: tpu7x:2x2x1
jax: 0.10.2.dev20260603
libtpu: 0.0.44.dev20260713+nightly
codegen_flags: <defaults>
</compile_context>

<pallas_src>
import jax
import jax.numpy as jnp
from jax import lax
from jax.experimental import pallas as pl
from jax.experimental.pallas import tpu as pltpu
from jax.experimental.pallas import tpu_sc as plsc

N = 10000
E = 320000
IN = 128
H = 256
OUT = 128

NC = 2
NS = 16
NW = NC * NS

NP = 10240
RPT = NP // NS
EP = 327680
EW = EP // NW
K = 128
CPW = EW // K

BR = 1024
BR1 = 1024
BR2 = 2048
NB = NP // BR


def _make_sc_agg(F, with_deg, dtype=jnp.float32):
    mesh = plsc.VectorSubcoreMesh(
        core_axis_name="c", subcore_axis_name="s", num_cores=NC, num_subcores=NS
    )
    out_type = [jax.ShapeDtypeStruct((NC, NP, F), dtype)]
    scratch = [
        pltpu.VMEM((3, 2, K), jnp.int32),
        pltpu.VMEM((2, K, F), dtype),
        pltpu.VMEM_SHARED((NP, F), dtype),
        pltpu.SemaphoreType.DMA,
        pltpu.SemaphoreType.DMA,
    ]
    if with_deg:
        out_type.append(jax.ShapeDtypeStruct((NC, NP), jnp.float32))
        scratch += [
            pltpu.SemaphoreType.DMA,
            pltpu.VMEM((K,), jnp.float32),
            pltpu.VMEM((RPT,), jnp.float32),
            pltpu.VMEM_SHARED((NP,), jnp.float32),
        ]

    def body(table, epk, *refs):
        if with_deg:
            out, dout, cidx, rows, acc, gsem, isem, dsem, ones, zdeg, dacc = refs
        else:
            out, cidx, rows, acc, gsem, isem = refs
        c = lax.axis_index("c")
        s = lax.axis_index("s")
        wid = s * NC + c

        pltpu.sync_copy(table.at[pl.ds(N, K)], rows.at[0])
        for k in range(RPT // K):
            pltpu.sync_copy(rows.at[0], acc.at[pl.ds(s * RPT + k * K, K)])
        if with_deg:
            def ofill(k, _):
                ones[pl.ds(k * 16, 16)] = jnp.ones((16,), jnp.float32)
                return 0

            lax.fori_loop(0, K // 16, ofill, 0)

            def dzfill(k, _):
                zdeg[pl.ds(k * 16, 16)] = jnp.zeros((16,), jnp.float32)
                return 0

            lax.fori_loop(0, RPT // 16, dzfill, 0)
            pltpu.sync_copy(zdeg, dacc.at[pl.ds(s * RPT, RPT)])
        cb = wid * CPW

        pltpu.sync_copy(epk.at[cb], cidx.at[0])
        pltpu.async_copy(epk.at[cb + 1], cidx.at[1], isem)
        pltpu.async_copy(table.at[cidx.at[0, 0]], rows.at[0], gsem)
        plsc.subcore_barrier()

        def chunk(t, _):
            b = lax.rem(t, 2)
            bn = lax.rem(t + 1, 2)
            s0 = lax.rem(t, 3)
            s1 = lax.rem(t + 1, 3)
            s2 = lax.rem(t + 2, 3)
            tn1 = jnp.minimum(t + 1, CPW - 1)
            tn2 = jnp.minimum(t + 2, CPW - 1)
            pltpu.make_async_copy(table.at[cidx.at[s0, 0]], rows.at[b], gsem).wait()
            pltpu.make_async_copy(epk.at[cb + tn1], cidx.at[s1], isem).wait()
            pltpu.async_copy(table.at[cidx.at[s1, 0]], rows.at[bn], gsem)
            pltpu.async_copy(epk.at[cb + tn2], cidx.at[s2], isem)
            if with_deg:
                dsc = pltpu.async_copy(ones, dacc.at[cidx.at[s0, 1]], dsem, add=True)
            pltpu.sync_copy(rows.at[b], acc.at[cidx.at[s0, 1]], add=True)
            if with_deg:
                dsc.wait()
            return 0

        lax.fori_loop(0, CPW, chunk, 0)
        pltpu.make_async_copy(
            table.at[cidx.at[CPW % 3, 0]], rows.at[CPW % 2], gsem
        ).wait()
        pltpu.make_async_copy(
            epk.at[cb + CPW - 1], cidx.at[(CPW + 1) % 3], isem
        ).wait()
        plsc.subcore_barrier()

        pltpu.sync_copy(acc.at[pl.ds(s * RPT, RPT)], out.at[c, pl.ds(s * RPT, RPT)])
        if with_deg:
            pltpu.sync_copy(
                dacc.at[pl.ds(s * RPT, RPT)], dout.at[c, pl.ds(s * RPT, RPT)]
            )

    return pl.kernel(
        body, out_type=tuple(out_type), mesh=mesh, scratch_types=tuple(scratch)
    )


def _dot(a, b):
    return jnp.dot(a, b, preferred_element_type=jnp.float32,
                   precision=lax.Precision.DEFAULT)


def _tc_stage1(part1, deg3, x, w1lT, w1rT, b1l, scale, shift, w2lT, w2rT, b2l):

    def body(p_ref, d_ref, x_ref, w1l_ref, w1r_ref, b1_ref, sc_ref, sh_ref,
             w2l_ref, w2r_ref, b2_ref, pout_ref, rout_ref, inv_ref):
        i = pl.program_id(0)
        deg = d_ref[0, 0] + d_ref[0, 1]
        inv = 1.0 / jnp.maximum(deg, 1.0)
        inv_ref[...] = inv.reshape(1, 1, BR)
        agg = (p_ref[0].astype(jnp.float32)
               + p_ref[1].astype(jnp.float32)) * inv[:, None]
        t = _dot(agg, w1l_ref[...]) + _dot(x_ref[...], w1r_ref[...]) + b1_ref[...]
        h = jnp.maximum(t * sc_ref[...] + sh_ref[...], 0.0)
        rix = i * BR1 + lax.broadcasted_iota(jnp.int32, (BR1, OUT), 0)
        pv = _dot(h, w2l_ref[...])
        pout_ref[...] = jnp.where(rix < N, pv, 0.0)
        rout_ref[...] = _dot(h, w2r_ref[...]) + b2_ref[...]

    full = lambda i: (0, 0)
    return pl.pallas_call(
        body,
        grid=(NP // BR1,),
        in_specs=[
            pl.BlockSpec((NC, BR1, IN), lambda i: (0, i, 0)),
            pl.BlockSpec((1, NC, BR), lambda i: (i, 0, 0)),
            pl.BlockSpec((BR1, IN), lambda i: (i, 0)),
            pl.BlockSpec((IN, H), full),
            pl.BlockSpec((IN, H), full),
            pl.BlockSpec((1, H), full),
            pl.BlockSpec((1, H), full),
            pl.BlockSpec((1, H), full),
            pl.BlockSpec((H, OUT), full),
            pl.BlockSpec((H, OUT), full),
            pl.BlockSpec((1, OUT), full),
        ],
        out_specs=[
            pl.BlockSpec((BR1, OUT), lambda i: (i, 0)),
            pl.BlockSpec((BR1, OUT), lambda i: (i, 0)),
            pl.BlockSpec((1, 1, BR), lambda i: (i, 0, 0)),
        ],
        out_shape=[
            jax.ShapeDtypeStruct((NP, OUT), jnp.float32),
            jax.ShapeDtypeStruct((NP, OUT), jnp.float32),
            jax.ShapeDtypeStruct((NB, 1, BR), jnp.float32),
        ],
    )(part1, deg3, x, w1lT, w1rT, b1l, scale, shift, w2lT, w2rT, b2l)


def _tc_stage2(part2, inv3, r):

    def body(p_ref, i_ref, r_ref, o_ref):
        g = BR2 // BR
        inv = i_ref[:, 0]
        ps = (p_ref[0].astype(jnp.float32)
              + p_ref[1].astype(jnp.float32)).reshape(g, BR, OUT)
        rs = r_ref[...].reshape(g, BR, OUT)
        o_ref[...] = (ps * inv[:, :, None] + rs).reshape(BR2, OUT)

    return pl.pallas_call(
        body,
        grid=(NP // BR2,),
        in_specs=[
            pl.BlockSpec((NC, BR2, OUT), lambda i: (0, i, 0)),
            pl.BlockSpec((BR2 // BR, 1, BR), lambda i: (i, 0, 0)),
            pl.BlockSpec((BR2, OUT), lambda i: (i, 0)),
        ],
        out_specs=pl.BlockSpec((BR2, OUT), lambda i: (i, 0)),
        out_shape=jax.ShapeDtypeStruct((N, OUT), jnp.float32),
    )(part2, inv3, r)


_sc_agg_deg = _make_sc_agg(IN, True)
_sc_agg = _make_sc_agg(OUT, False)


@jax.jit
def kernel(x, edge_index, W1l, b1l, W1r, bn_gamma, bn_beta, bn_mean, bn_var,
           W2l, b2l, W2r):
    src = edge_index[0]
    dst = edge_index[1]
    pad_i = jnp.arange(EP - E, dtype=jnp.int32)
    src_p = jnp.concatenate([src, pad_i % N]).reshape(EP // K, 1, K)
    dst_p = jnp.concatenate([dst, N + pad_i % (NP - N)]).reshape(EP // K, 1, K)
    epk = jnp.concatenate([src_p, dst_p], axis=1)
    x_p = jnp.pad(x, ((0, NP - N), (0, 0)))

    rstd = 1.0 / jnp.sqrt(bn_var + 1e-5)
    scale = (bn_gamma * rstd).reshape(1, H)
    shift = (bn_beta - bn_mean * bn_gamma * rstd).reshape(1, H)

    part1, degp = _sc_agg_deg(x_p, epk)
    deg3 = degp.reshape(NC, NB, BR).transpose(1, 0, 2)

    p, r, inv3 = _tc_stage1(
        part1, deg3, x_p, W1l.T, W1r.T, b1l.reshape(1, H), scale, shift,
        W2l.T, W2r.T, b2l.reshape(1, OUT),
    )

    (part2,) = _sc_agg(p, epk)
    return _tc_stage2(part2, inv3, r)

# --- scband reference (transcript-rebuilt; emitter-appended) ---
"""Pipeline reference for scband-fraud-sage-57750130262133 (READ-ONLY COPY).

The authoritative reference and input builder live on the scoring server;
editing this copy changes nothing except your own understanding.
"""

import jax, jax.numpy as jnp
import numpy as np

N = 10000
E = 320000
IN = 128
H = 256
OUT = 128


def setup_inputs(seed: int = 0) -> dict:
    key = jax.random.key(seed)
    ks = jax.random.split(key, 12)
    x = jax.random.normal(ks[0], (N, IN), dtype=jnp.float32)
    edge_index = jax.random.randint(ks[1], (2, E), 0, N, dtype=jnp.int32)
    s1 = 1.0 / np.sqrt(IN)
    s2 = 1.0 / np.sqrt(H)
    W1l = jax.random.uniform(ks[2], (H, IN), jnp.float32, -s1, s1)
    b1l = jax.random.uniform(ks[3], (H,), jnp.float32, -s1, s1)
    W1r = jax.random.uniform(ks[4], (H, IN), jnp.float32, -s1, s1)
    bn_gamma = jnp.ones((H,), jnp.float32)
    bn_beta = jnp.zeros((H,), jnp.float32)
    bn_mean = jnp.zeros((H,), jnp.float32)
    bn_var = jnp.ones((H,), jnp.float32)
    W2l = jax.random.uniform(ks[5], (OUT, H), jnp.float32, -s2, s2)
    b2l = jax.random.uniform(ks[6], (OUT,), jnp.float32, -s2, s2)
    W2r = jax.random.uniform(ks[7], (OUT, H), jnp.float32, -s2, s2)
    return {
        "x": x, "edge_index": edge_index,
        "W1l": W1l, "b1l": b1l, "W1r": W1r,
        "bn_gamma": bn_gamma, "bn_beta": bn_beta,
        "bn_mean": bn_mean, "bn_var": bn_var,
        "W2l": W2l, "b2l": b2l, "W2r": W2r,
    }


def _sage_conv(x, edge_index, Wl, bl, Wr):
    # PyG SAGEConv with mean aggregation:
    # out = lin_l(mean_{j in N(i)} x_j) + lin_r(x_i)
    src = edge_index[0]
    dst = edge_index[1]
    msg = jnp.take(x, src, axis=0)
    agg = jax.ops.segment_sum(msg, dst, num_segments=N)
    deg = jax.ops.segment_sum(jnp.ones((edge_index.shape[1],), jnp.float32), dst, num_segments=N)
    agg = agg / jnp.clip(deg, 1.0, None)[:, None]
    return agg @ Wl.T + bl + x @ Wr.T


def reference(x, edge_index, W1l, b1l, W1r, bn_gamma, bn_beta, bn_mean, bn_var, W2l, b2l, W2r):
    h = _sage_conv(x, edge_index, W1l, b1l, W1r)
    # BatchNorm1d in eval mode (running stats); dropout is identity in eval.
    h = (h - bn_mean) / jnp.sqrt(bn_var + 1e-5) * bn_gamma + bn_beta
    h = jax.nn.relu(h)
    out = _sage_conv(h, edge_index, W2l, b2l, W2r)
    return out

if __name__ == "__main__":
    import jax
    _d = setup_inputs()
    print(jax.jit(kernel)(*tuple(_d.values())))

</pallas_src>

<mosaic_0001>
#map = affine_map<(d0, d1) -> (0, 0)>
#map1 = affine_map<(d0, d1) -> (0, 0, 0)>
module attributes {stable_mosaic.version = 14 : i64} {
  func.func @body(%arg0: i32, %arg1: i32, %arg2: memref<10240x128xf32, #tpu.memory_space<hbm>>, %arg3: memref<2560x2x128xi32, #tpu.memory_space<hbm>>, %arg4: memref<2x10240x128xf32, #tpu.memory_space<hbm>>, %arg5: memref<3x2x128xi32, #tpu.memory_space<vmem>>, %arg6: memref<2x128x128xf32, #tpu.memory_space<vmem>>, %arg7: memref<10240x128xf32, #tpu.memory_space<vmem_shared>>, %arg8: memref<!tpu.dma_semaphore, #tpu.memory_space<semaphore_mem>>, %arg9: memref<!tpu.dma_semaphore, #tpu.memory_space<semaphore_mem>>) attributes {dimension_semantics = [#tpu.dimension_semantics<core_parallel>, #tpu.dimension_semantics<subcore_parallel>], iteration_bounds = array<i64: 2, 16>, scalar_prefetch = 0 : i64, scratch_operands = 5 : i64, tpu.core_type = #tpu.core_type<sc_vector_subcore>, window_params = [{transform_indices = #map}, {transform_indices = #map1}, {transform_indices = #map1}]} {
    %mul3A = arith.constant 2 : i32
    %mul3A_0 = arith.muli %arg1, %mul3A : i32
    %add3A = arith.addi %mul3A_0, %arg0 : i32
    %run_scoped3A = arith.constant 0 : i32
    "tpu.region"() ({
      %run_scoped3A_103 = tpu.sem_alloc : memref<!tpu.dma_semaphore, #tpu.memory_space<semaphore_mem>>
      %dma_start3A_104 = arith.constant 0 : i32
      %dma_start3A_105 = arith.constant 0 : i32
      %dma_start3A_106 = tpu.memref_slice %arg6[%run_scoped3A, %dma_start3A_104, %dma_start3A_105] : memref<2x128x128xf32, #tpu.memory_space<vmem>> -> memref<1x128x128xf32, #tpu.memory_space<vmem>>
      %dma_start3A_107 = tpu.memref_squeeze %dma_start3A_106 : memref<1x128x128xf32, #tpu.memory_space<vmem>> -> memref<128x128xf32, #tpu.memory_space<vmem>>
      %dma_start3A_108 = arith.constant 10000 : i32
      %dma_start3A_109 = arith.constant 0 : i32
      %dma_start3A_110 = tpu.memref_slice %arg2[%dma_start3A_108, %dma_start3A_109] : memref<10240x128xf32, #tpu.memory_space<hbm>> -> memref<128x128xf32, #tpu.memory_space<hbm>>
      %dma_start3A_111 = arith.constant 0 : i32
      %dma_start3A_112 = arith.constant 0 : i32
      %dma_start3A_113 = tpu.memref_slice %arg6[%run_scoped3A, %dma_start3A_111, %dma_start3A_112] : memref<2x128x128xf32, #tpu.memory_space<vmem>> -> memref<1x128x128xf32, #tpu.memory_space<vmem>>
      %dma_start3A_114 = tpu.memref_squeeze %dma_start3A_113 : memref<1x128x128xf32, #tpu.memory_space<vmem>> -> memref<128x128xf32, #tpu.memory_space<vmem>>
      %dma_start3A_115 = arith.constant 10000 : i32
      %dma_start3A_116 = arith.constant 0 : i32
      %dma_start3A_117 = tpu.memref_slice %arg2[%dma_start3A_115, %dma_start3A_116] : memref<10240x128xf32, #tpu.memory_space<hbm>> -> memref<128x128xf32, #tpu.memory_space<hbm>>
      tpu.enqueue_dma source(%dma_start3A_117 : memref<128x128xf32, #tpu.memory_space<hbm>>) target(%dma_start3A_114 : memref<128x128xf32, #tpu.memory_space<vmem>>) target_semaphore(%run_scoped3A_103 : memref<!tpu.dma_semaphore, #tpu.memory_space<semaphore_mem>>)
      %dma_wait3A_118 = arith.constant 0 : i32
      %dma_wait3A_119 = arith.constant 0 : i32
      %dma_wait3A_120 = tpu.memref_slice %arg6[%run_scoped3A, %dma_wait3A_118, %dma_wait3A_119] : memref<2x128x128xf32, #tpu.memory_space<vmem>> -> memref<1x128x128xf32, #tpu.memory_space<vmem>>
      %dma_wait3A_121 = tpu.memref_squeeze %dma_wait3A_120 : memref<1x128x128xf32, #tpu.memory_space<vmem>> -> memref<128x128xf32, #tpu.memory_space<vmem>>
      %dma_wait3A_122 = arith.constant 10000 : i32
      %dma_wait3A_123 = arith.constant 0 : i32
      %dma_wait3A_124 = tpu.memref_slice %arg2[%dma_wait3A_122, %dma_wait3A_123] : memref<10240x128xf32, #tpu.memory_space<hbm>> -> memref<128x128xf32, #tpu.memory_space<hbm>>
      %dma_wait3A_125 = arith.constant 0 : i32
      %dma_wait3A_126 = arith.constant 0 : i32
      %dma_wait3A_127 = tpu.memref_slice %arg6[%run_scoped3A, %dma_wait3A_125, %dma_wait3A_126] : memref<2x128x128xf32, #tpu.memory_space<vmem>> -> memref<1x128x128xf32, #tpu.memory_space<vmem>>
      %dma_wait3A_128 = tpu.memref_squeeze %dma_wait3A_127 : memref<1x128x128xf32, #tpu.memory_space<vmem>> -> memref<128x128xf32, #tpu.memory_space<vmem>>
      %dma_wait3A_129 = arith.constant 10000 : i32
      %dma_wait3A_130 = arith.constant 0 : i32
      %dma_wait3A_131 = tpu.memref_slice %arg2[%dma_wait3A_129, %dma_wait3A_130] : memref<10240x128xf32, #tpu.memory_space<hbm>> -> memref<128x128xf32, #tpu.memory_space<hbm>>
      tpu.wait_dma2 semaphore(%run_scoped3A_103 : memref<!tpu.dma_semaphore, #tpu.memory_space<semaphore_mem>>) src(%dma_wait3A_131 : memref<128x128xf32, #tpu.memory_space<hbm>>) dst(%dma_wait3A_128 : memref<128x128xf32, #tpu.memory_space<vmem>>)
      tpu.yield
    }) : () -> ()
    %mul3A_1 = arith.constant 640 : i32
    %mul3A_2 = arith.muli %arg1, %mul3A_1 : i32
    %add3A_3 = arith.constant 0 : i32
    %add3A_4 = arith.addi %mul3A_2, %add3A_3 : i32
    %run_scoped3A_5 = arith.constant 0 : i32
    "tpu.region"() ({
      %run_scoped3A_103 = tpu.sem_alloc : memref<!tpu.dma_semaphore, #tpu.memory_space<semaphore_mem>>
      %dma_start3A_104 = arith.constant 0 : i32
      %dma_start3A_105 = arith.constant 0 : i32
      %dma_start3A_106 = tpu.memref_slice %arg6[%run_scoped3A_5, %dma_start3A_104, %dma_start3A_105] : memref<2x128x128xf32, #tpu.memory_space<vmem>> -> memref<1x128x128xf32, #tpu.memory_space<vmem>>
      %dma_start3A_107 = tpu.memref_squeeze %dma_start3A_106 : memref<1x128x128xf32, #tpu.memory_space<vmem>> -> memref<128x128xf32, #tpu.memory_space<vmem>>
      %dma_start3A_108 = arith.constant 0 : i32
      %dma_start3A_109 = tpu.memref_slice %arg7[%add3A_4, %dma_start3A_108] : memref<10240x128xf32, #tpu.memory_space<vmem_shared>> -> memref<128x128xf32, #tpu.memory_space<vmem_shared>>
      %dma_start3A_110 = arith.constant 0 : i32
      %dma_start3A_111 = tpu.memref_slice %arg7[%add3A_4, %dma_start3A_110] : memref<10240x128xf32, #tpu.memory_space<vmem_shared>> -> memref<128x128xf32, #tpu.memory_space<vmem_shared>>
      %dma_start3A_112 = arith.constant 0 : i32
      %dma_start3A_113 = arith.constant 0 : i32
      %dma_start3A_114 = tpu.memref_slice %arg6[%run_scoped3A_5, %dma_start3A_112, %dma_start3A_113] : memref<2x128x128xf32, #tpu.memory_space<vmem>> -> memref<1x128x128xf32, #tpu.memory_space<vmem>>
      %dma_start3A_115 = tpu.memref_squeeze %dma_start3A_114 : memref<1x128x128xf32, #tpu.memory_space<vmem>> -> memref<128x128xf32, #tpu.memory_space<vmem>>
      tpu.enqueue_dma source(%dma_start3A_115 : memref<128x128xf32, #tpu.memory_space<vmem>>) target(%dma_start3A_111 : memref<128x128xf32, #tpu.memory_space<vmem_shared>>) target_semaphore(%run_scoped3A_103 : memref<!tpu.dma_semaphore, #tpu.memory_space<semaphore_mem>>)
      %dma_wait3A_116 = arith.constant 0 : i32
      %dma_wait3A_117 = arith.constant 0 : i32
      %dma_wait3A_118 = tpu.memref_slice %arg6[%run_scoped3A_5, %dma_wait3A_116, %dma_wait3A_117] : memref<2x128x128xf32, #tpu.memory_space<vmem>> -> memref<1x128x128xf32, #tpu.memory_space<vmem>>
      %dma_wait3A_119 = tpu.memref_squeeze %dma_wait3A_118 : memref<1x128x128xf32, #tpu.memory_space<vmem>> -> memref<128x128xf32, #tpu.memory_space<vmem>>
      %dma_wait3A_120 = arith.constant 0 : i32
      %dma_wait3A_121 = tpu.memref_slice %arg7[%add3A_4, %dma_wait3A_120] : memref<10240x128xf32, #tpu.memory_space<vmem_shared>> -> memref<128x128xf32, #tpu.memory_space<vmem_shared>>
      %dma_wait3A_122 = arith.constant 0 : i32
      %dma_wait3A_123 = tpu.memref_slice %arg7[%add3A_4, %dma_wait3A_122] : memref<10240x128xf32, #tpu.memory_space<vmem_shared>> -> memref<128x128xf32, #tpu.memory_space<vmem_shared>>
      %dma_wait3A_124 = arith.constant 0 : i32
      %dma_wait3A_125 = arith.constant 0 : i32
      %dma_wait3A_126 = tpu.memref_slice %arg6[%run_scoped3A_5, %dma_wait3A_124, %dma_wait3A_125] : memref<2x128x128xf32, #tpu.memory_space<vmem>> -> memref<1x128x128xf32, #tpu.memory_space<vmem>>
      %dma_wait3A_127 = tpu.memref_squeeze %dma_wait3A_126 : memref<1x128x128xf32, #tpu.memory_space<vmem>> -> memref<128x128xf32, #tpu.memory_space<vmem>>
      tpu.wait_dma2 semaphore(%run_scoped3A_103 : memref<!tpu.dma_semaphore, #tpu.memory_space<semaphore_mem>>) src(%dma_wait3A_127 : memref<128x128xf32, #tpu.memory_space<vmem>>) dst(%dma_wait3A_123 : memref<128x128xf32, #tpu.memory_space<vmem_shared>>)
      tpu.yield
    }) : () -> ()
    %mul3A_6 = arith.constant 640 : i32
    %mul3A_7 = arith.muli %arg1, %mul3A_6 : i32
    %add3A_8 = arith.constant 128 : i32
    %add3A_9 = arith.addi %mul3A_7, %add3A_8 : i32
    %run_scoped3A_10 = arith.constant 0 : i32
    "tpu.region"() ({
      %run_scoped3A_103 = tpu.sem_alloc : memref<!tpu.dma_semaphore, #tpu.memory_space<semaphore_mem>>
      %dma_start3A_104 = arith.constant 0 : i32
      %dma_start3A_105 = arith.constant 0 : i32
      %dma_start3A_106 = tpu.memref_slice %arg6[%run_scoped3A_10, %dma_start3A_104, %dma_start3A_105] : memref<2x128x128xf32, #tpu.memory_space<vmem>> -> memref<1x128x128xf32, #tpu.memory_space<vmem>>
      %dma_start3A_107 = tpu.memref_squeeze %dma_start3A_106 : memref<1x128x128xf32, #tpu.memory_space<vmem>> -> memref<128x128xf32, #tpu.memory_space<vmem>>
      %dma_start3A_108 = arith.constant 0 : i32
      %dma_start3A_109 = tpu.memref_slice %arg7[%add3A_9, %dma_start3A_108] : memref<10240x128xf32, #tpu.memory_space<vmem_shared>> -> memref<128x128xf32, #tpu.memory_space<vmem_shared>>
      %dma_start3A_110 = arith.constant 0 : i32
      %dma_start3A_111 = tpu.memref_slice %arg7[%add3A_9, %dma_start3A_110] : memref<10240x128xf32, #tpu.memory_space<vmem_shared>> -> memref<128x128xf32, #tpu.memory_space<vmem_shared>>
      %dma_start3A_112 = arith.constant 0 : i32
      %dma_start3A_113 = arith.constant 0 : i32
      %dma_start3A_114 = tpu.memref_slice %arg6[%run_scoped3A_10, %dma_start3A_112, %dma_start3A_113] : memref<2x128x128xf32, #tpu.memory_space<vmem>> -> memref<1x128x128xf32, #tpu.memory_space<vmem>>
      %dma_start3A_115 = tpu.memref_squeeze %dma_start3A_114 : memref<1x128x128xf32, #tpu.memory_space<vmem>> -> memref<128x128xf32, #tpu.memory_space<vmem>>
      tpu.enqueue_dma source(%dma_start3A_115 : memref<128x128xf32, #tpu.memory_space<vmem>>) target(%dma_start3A_111 : memref<128x128xf32, #tpu.memory_space<vmem_shared>>) target_semaphore(%run_scoped3A_103 : memref<!tpu.dma_semaphore, #tpu.memory_space<semaphore_mem>>)
      %dma_wait3A_116 = arith.constant 0 : i32
      %dma_wait3A_117 = arith.constant 0 : i32
      %dma_wait3A_118 = tpu.memref_slice %arg6[%run_scoped3A_10, %dma_wait3A_116, %dma_wait3A_117] : memref<2x128x128xf32, #tpu.memory_space<vmem>> -> memref<1x128x128xf32, #tpu.memory_space<vmem>>
      %dma_wait3A_119 = tpu.memref_squeeze %dma_wait3A_118 : memref<1x128x128xf32, #tpu.memory_space<vmem>> -> memref<128x128xf32, #tpu.memory_space<vmem>>
      %dma_wait3A_120 = arith.constant 0 : i32
      %dma_wait3A_121 = tpu.memref_slice %arg7[%add3A_9, %dma_wait3A_120] : memref<10240x128xf32, #tpu.memory_space<vmem_shared>> -> memref<128x128xf32, #tpu.memory_space<vmem_shared>>
      %dma_wait3A_122 = arith.constant 0 : i32
      %dma_wait3A_123 = tpu.memref_slice %arg7[%add3A_9, %dma_wait3A_122] : memref<10240x128xf32, #tpu.memory_space<vmem_shared>> -> memref<128x128xf32, #tpu.memory_space<vmem_shared>>
      %dma_wait3A_124 = arith.constant 0 : i32
      %dma_wait3A_125 = arith.constant 0 : i32
      %dma_wait3A_126 = tpu.memref_slice %arg6[%run_scoped3A_10, %dma_wait3A_124, %dma_wait3A_125] : memref<2x128x128xf32, #tpu.memory_space<vmem>> -> memref<1x128x128xf32, #tpu.memory_space<vmem>>
      %dma_wait3A_127 = tpu.memref_squeeze %dma_wait3A_126 : memref<1x128x128xf32, #tpu.memory_space<vmem>> -> memref<128x128xf32, #tpu.memory_space<vmem>>
      tpu.wait_dma2 semaphore(%run_scoped3A_103 : memref<!tpu.dma_semaphore, #tpu.memory_space<semaphore_mem>>) src(%dma_wait3A_127 : memref<128x128xf32, #tpu.memory_space<vmem>>) dst(%dma_wait3A_123 : memref<128x128xf32, #tpu.memory_space<vmem_shared>>)
      tpu.yield
    }) : () -> ()
    %mul3A_11 = arith.constant 640 : i32
    %mul3A_12 = arith.muli %arg1, %mul3A_11 : i32
    %add3A_13 = arith.constant 256 : i32
    %add3A_14 = arith.addi %mul3A_12, %add3A_13 : i32
    %run_scoped3A_15 = arith.constant 0 : i32
    "tpu.region"() ({
      %run_scoped3A_103 = tpu.sem_alloc : memref<!tpu.dma_semaphore, #tpu.memory_space<semaphore_mem>>
      %dma_start3A_104 = arith.constant 0 : i32
      %dma_start3A_105 = arith.constant 0 : i32
      %dma_start3A_106 = tpu.memref_slice %arg6[%run_scoped3A_15, %dma_start3A_104, %dma_start3A_105] : memref<2x128x128xf32, #tpu.memory_space<vmem>> -> memref<1x128x128xf32, #tpu.memory_space<vmem>>
      %dma_start3A_107 = tpu.memref_squeeze %dma_start3A_106 : memref<1x128x128xf32, #tpu.memory_space<vmem>> -> memref<128x128xf32, #tpu.memory_space<vmem>>
      %dma_start3A_108 = arith.constant 0 : i32
      %dma_start3A_109 = tpu.memref_slice %arg7[%add3A_14, %dma_start3A_108] : memref<10240x128xf32, #tpu.memory_space<vmem_shared>> -> memref<128x128xf32, #tpu.memory_space<vmem_shared>>
      %dma_start3A_110 = arith.constant 0 : i32
      %dma_start3A_111 = tpu.memref_slice %arg7[%add3A_14, %dma_start3A_110] : memref<10240x128xf32, #tpu.memory_space<vmem_shared>> -> memref<128x128xf32, #tpu.memory_space<vmem_shared>>
      %dma_start3A_112 = arith.constant 0 : i32
      %dma_start3A_113 = arith.constant 0 : i32
      %dma_start3A_114 = tpu.memref_slice %arg6[%run_scoped3A_15, %dma_start3A_112, %dma_start3A_113] : memref<2x128x128xf32, #tpu.memory_space<vmem>> -> memref<1x128x128xf32, #tpu.memory_space<vmem>>
      %dma_start3A_115 = tpu.memref_squeeze %dma_start3A_114 : memref<1x128x128xf32, #tpu.memory_space<vmem>> -> memref<128x128xf32, #tpu.memory_space<vmem>>
      tpu.enqueue_dma source(%dma_start3A_115 : memref<128x128xf32, #tpu.memory_space<vmem>>) target(%dma_start3A_111 : memref<128x128xf32, #tpu.memory_space<vmem_shared>>) target_semaphore(%run_scoped3A_103 : memref<!tpu.dma_semaphore, #tpu.memory_space<semaphore_mem>>)
      %dma_wait3A_116 = arith.constant 0 : i32
      %dma_wait3A_117 = arith.constant 0 : i32
      %dma_wait3A_118 = tpu.memref_slice %arg6[%run_scoped3A_15, %dma_wait3A_116, %dma_wait3A_117] : memref<2x128x128xf32, #tpu.memory_space<vmem>> -> memref<1x128x128xf32, #tpu.memory_space<vmem>>
      %dma_wait3A_119 = tpu.memref_squeeze %dma_wait3A_118 : memref<1x128x128xf32, #tpu.memory_space<vmem>> -> memref<128x128xf32, #tpu.memory_space<vmem>>
      %dma_wait3A_120 = arith.constant 0 : i32
      %dma_wait3A_121 = tpu.memref_slice %arg7[%add3A_14, %dma_wait3A_120] : memref<10240x128xf32, #tpu.memory_space<vmem_shared>> -> memref<128x128xf32, #tpu.memory_space<vmem_shared>>
      %dma_wait3A_122 = arith.constant 0 : i32
      %dma_wait3A_123 = tpu.memref_slice %arg7[%add3A_14, %dma_wait3A_122] : memref<10240x128xf32, #tpu.memory_space<vmem_shared>> -> memref<128x128xf32, #tpu.memory_space<vmem_shared>>
      %dma_wait3A_124 = arith.constant 0 : i32
      %dma_wait3A_125 = arith.constant 0 : i32
      %dma_wait3A_126 = tpu.memref_slice %arg6[%run_scoped3A_15, %dma_wait3A_124, %dma_wait3A_125] : memref<2x128x128xf32, #tpu.memory_space<vmem>> -> memref<1x128x128xf32, #tpu.memory_space<vmem>>
      %dma_wait3A_127 = tpu.memref_squeeze %dma_wait3A_126 : memref<1x128x128xf32, #tpu.memory_space<vmem>> -> memref<128x128xf32, #tpu.memory_space<vmem>>
      tpu.wait_dma2 semaphore(%run_scoped3A_103 : memref<!tpu.dma_semaphore, #tpu.memory_space<semaphore_mem>>) src(%dma_wait3A_127 : memref<128x128xf32, #tpu.memory_space<vmem>>) dst(%dma_wait3A_123 : memref<128x128xf32, #tpu.memory_space<vmem_shared>>)
      tpu.yield
    }) : () -> ()
    %mul3A_16 = arith.constant 640 : i32
    %mul3A_17 = arith.muli %arg1, %mul3A_16 : i32
    %add3A_18 = arith.constant 384 : i32
    %add3A_19 = arith.addi %mul3A_17, %add3A_18 : i32
    %run_scoped3A_20 = arith.constant 0 : i32
    "tpu.region"() ({
      %run_scoped3A_103 = tpu.sem_alloc : memref<!tpu.dma_semaphore, #tpu.memory_space<semaphore_mem>>
      %dma_start3A_104 = arith.constant 0 : i32
      %dma_start3A_105 = arith.constant 0 : i32
      %dma_start3A_106 = tpu.memref_slice %arg6[%run_scoped3A_20, %dma_start3A_104, %dma_start3A_105] : memref<2x128x128xf32, #tpu.memory_space<vmem>> -> memref<1x128x128xf32, #tpu.memory_space<vmem>>
      %dma_start3A_107 = tpu.memref_squeeze %dma_start3A_106 : memref<1x128x128xf32, #tpu.memory_space<vmem>> -> memref<128x128xf32, #tpu.memory_space<vmem>>
      %dma_start3A_108 = arith.constant 0 : i32
      %dma_start3A_109 = tpu.memref_slice %arg7[%add3A_19, %dma_start3A_108] : memref<10240x128xf32, #tpu.memory_space<vmem_shared>> -> memref<128x128xf32, #tpu.memory_space<vmem_shared>>
      %dma_start3A_110 = arith.constant 0 : i32
      %dma_start3A_111 = tpu.memref_slice %arg7[%add3A_19, %dma_start3A_110] : memref<10240x128xf32, #tpu.memory_space<vmem_shared>> -> memref<128x128xf32, #tpu.memory_space<vmem_shared>>
      %dma_start3A_112 = arith.constant 0 : i32
      %dma_start3A_113 = arith.constant 0 : i32
      %dma_start3A_114 = tpu.memref_slice %arg6[%run_scoped3A_20, %dma_start3A_112, %dma_start3A_113] : memref<2x128x128xf32, #tpu.memory_space<vmem>> -> memref<1x128x128xf32, #tpu.memory_space<vmem>>
      %dma_start3A_115 = tpu.memref_squeeze %dma_start3A_114 : memref<1x128x128xf32, #tpu.memory_space<vmem>> -> memref<128x128xf32, #tpu.memory_space<vmem>>
      tpu.enqueue_dma source(%dma_start3A_115 : memref<128x128xf32, #tpu.memory_space<vmem>>) target(%dma_start3A_111 : memref<128x128xf32, #tpu.memory_space<vmem_shared>>) target_semaphore(%run_scoped3A_103 : memref<!tpu.dma_semaphore, #tpu.memory_space<semaphore_mem>>)
      %dma_wait3A_116 = arith.constant 0 : i32
      %dma_wait3A_117 = arith.constant 0 : i32
      %dma_wait3A_118 = tpu.memref_slice %arg6[%run_scoped3A_20, %dma_wait3A_116, %dma_wait3A_117] : memref<2x128x128xf32, #tpu.memory_space<vmem>> -> memref<1x128x128xf32, #tpu.memory_space<vmem>>
      %dma_wait3A_119 = tpu.memref_squeeze %dma_wait3A_118 : memref<1x128x128xf32, #tpu.memory_space<vmem>> -> memref<128x128xf32, #tpu.memory_space<vmem>>
      %dma_wait3A_120 = arith.constant 0 : i32
      %dma_wait3A_121 = tpu.memref_slice %arg7[%add3A_19, %dma_wait3A_120] : memref<10240x128xf32, #tpu.memory_space<vmem_shared>> -> memref<128x128xf32, #tpu.memory_space<vmem_shared>>
      %dma_wait3A_122 = arith.constant 0 : i32
      %dma_wait3A_123 = tpu.memref_slice %arg7[%add3A_19, %dma_wait3A_122] : memref<10240x128xf32, #tpu.memory_space<vmem_shared>> -> memref<128x128xf32, #tpu.memory_space<vmem_shared>>
      %dma_wait3A_124 = arith.constant 0 : i32
      %dma_wait3A_125 = arith.constant 0 : i32
      %dma_wait3A_126 = tpu.memref_slice %arg6[%run_scoped3A_20, %dma_wait3A_124, %dma_wait3A_125] : memref<2x128x128xf32, #tpu.memory_space<vmem>> -> memref<1x128x128xf32, #tpu.memory_space<vmem>>
      %dma_wait3A_127 = tpu.memref_squeeze %dma_wait3A_126 : memref<1x128x128xf32, #tpu.memory_space<vmem>> -> memref<128x128xf32, #tpu.memory_space<vmem>>
      tpu.wait_dma2 semaphore(%run_scoped3A_103 : memref<!tpu.dma_semaphore, #tpu.memory_space<semaphore_mem>>) src(%dma_wait3A_127 : memref<128x128xf32, #tpu.memory_space<vmem>>) dst(%dma_wait3A_123 : memref<128x128xf32, #tpu.memory_space<vmem_shared>>)
      tpu.yield
    }) : () -> ()
    %mul3A_21 = arith.constant 640 : i32
    %mul3A_22 = arith.muli %arg1, %mul3A_21 : i32
    %add3A_23 = arith.constant 512 : i32
    %add3A_24 = arith.addi %mul3A_22, %add3A_23 : i32
    %run_scoped3A_25 = arith.constant 0 : i32
    "tpu.region"() ({
      %run_scoped3A_103 = tpu.sem_alloc : memref<!tpu.dma_semaphore, #tpu.memory_space<semaphore_mem>>
      %dma_start3A_104 = arith.constant 0 : i32
      %dma_start3A_105 = arith.constant 0 : i32
      %dma_start3A_106 = tpu.memref_slice %arg6[%run_scoped3A_25, %dma_start3A_104, %dma_start3A_105] : memref<2x128x128xf32, #tpu.memory_space<vmem>> -> memref<1x128x128xf32, #tpu.memory_space<vmem>>
      %dma_start3A_107 = tpu.memref_squeeze %dma_start3A_106 : memref<1x128x128xf32, #tpu.memory_space<vmem>> -> memref<128x128xf32, #tpu.memory_space<vmem>>
      %dma_start3A_108 = arith.constant 0 : i32
      %dma_start3A_109 = tpu.memref_slice %arg7[%add3A_24, %dma_start3A_108] : memref<10240x128xf32, #tpu.memory_space<vmem_shared>> -> memref<128x128xf32, #tpu.memory_space<vmem_shared>>
      %dma_start3A_110 = arith.constant 0 : i32
      %dma_start3A_111 = tpu.memref_slice %arg7[%add3A_24, %dma_start3A_110] : memref<10240x128xf32, #tpu.memory_space<vmem_shared>> -> memref<128x128xf32, #tpu.memory_space<vmem_shared>>
      %dma_start3A_112 = arith.constant 0 : i32
      %dma_start3A_113 = arith.constant 0 : i32
      %dma_start3A_114 = tpu.memref_slice %arg6[%run_scoped3A_25, %dma_start3A_112, %dma_start3A_113] : memref<2x128x128xf32, #tpu.memory_space<vmem>> -> memref<1x128x128xf32, #tpu.memory_space<vmem>>
      %dma_start3A_115 = tpu.memref_squeeze %dma_start3A_114 : memref<1x128x128xf32, #tpu.memory_space<vmem>> -> memref<128x128xf32, #tpu.memory_space<vmem>>
      tpu.enqueue_dma source(%dma_start3A_115 : memref<128x128xf32, #tpu.memory_space<vmem>>) target(%dma_start3A_111 : memref<128x128xf32, #tpu.memory_space<vmem_shared>>) target_semaphore(%run_scoped3A_103 : memref<!tpu.dma_semaphore, #tpu.memory_space<semaphore_mem>>)
      %dma_wait3A_116 = arith.constant 0 : i32
      %dma_wait3A_117 = arith.constant 0 : i32
      %dma_wait3A_118 = tpu.memref_slice %arg6[%run_scoped3A_25, %dma_wait3A_116, %dma_wait3A_117] : memref<2x128x128xf32, #tpu.memory_space<vmem>> -> memref<1x128x128xf32, #tpu.memory_space<vmem>>
      %dma_wait3A_119 = tpu.memref_squeeze %dma_wait3A_118 : memref<1x128x128xf32, #tpu.memory_space<vmem>> -> memref<128x128xf32, #tpu.memory_space<vmem>>
      %dma_wait3A_120 = arith.constant 0 : i32
      %dma_wait3A_121 = tpu.memref_slice %arg7[%add3A_24, %dma_wait3A_120] : memref<10240x128xf32, #tpu.memory_space<vmem_shared>> -> memref<128x128xf32, #tpu.memory_space<vmem_shared>>
      %dma_wait3A_122 = arith.constant 0 : i32
      %dma_wait3A_123 = tpu.memref_slice %arg7[%add3A_24, %dma_wait3A_122] : memref<10240x128xf32, #tpu.memory_space<vmem_shared>> -> memref<128x128xf32, #tpu.memory_space<vmem_shared>>
      %dma_wait3A_124 = arith.constant 0 : i32
      %dma_wait3A_125 = arith.constant 0 : i32
      %dma_wait3A_126 = tpu.memref_slice %arg6[%run_scoped3A_25, %dma_wait3A_124, %dma_wait3A_125] : memref<2x128x128xf32, #tpu.memory_space<vmem>> -> memref<1x128x128xf32, #tpu.memory_space<vmem>>
      %dma_wait3A_127 = tpu.memref_squeeze %dma_wait3A_126 : memref<1x128x128xf32, #tpu.memory_space<vmem>> -> memref<128x128xf32, #tpu.memory_space<vmem>>
      tpu.wait_dma2 semaphore(%run_scoped3A_103 : memref<!tpu.dma_semaphore, #tpu.memory_space<semaphore_mem>>) src(%dma_wait3A_127 : memref<128x128xf32, #tpu.memory_space<vmem>>) dst(%dma_wait3A_123 : memref<128x128xf32, #tpu.memory_space<vmem_shared>>)
      tpu.yield
    }) : () -> ()
    %mul3A_26 = arith.constant 80 : i32
    %mul3A_27 = arith.muli %add3A, %mul3A_26 : i32
    %run_scoped3A_28 = arith.constant 0 : i32
    "tpu.region"() ({
      %run_scoped3A_103 = tpu.sem_alloc : memref<!tpu.dma_semaphore, #tpu.memory_space<semaphore_mem>>
      %dma_start3A_104 = arith.constant 0 : i32
      %dma_start3A_105 = arith.constant 0 : i32
      %dma_start3A_106 = tpu.memref_slice %arg5[%run_scoped3A_28, %dma_start3A_104, %dma_start3A_105] : memref<3x2x128xi32, #tpu.memory_space<vmem>> -> memref<1x2x128xi32, #tpu.memory_space<vmem>>
      %dma_start3A_107 = tpu.memref_squeeze %dma_start3A_106 : memref<1x2x128xi32, #tpu.memory_space<vmem>> -> memref<2x128xi32, #tpu.memory_space<vmem>>
      %dma_start3A_108 = arith.constant 0 : i32
      %dma_start3A_109 = arith.constant 0 : i32
      %dma_start3A_110 = tpu.memref_slice %arg3[%mul3A_27, %dma_start3A_108, %dma_start3A_109] : memref<2560x2x128xi32, #tpu.memory_space<hbm>> -> memref<1x2x128xi32, #tpu.memory_space<hbm>>
      %dma_start3A_111 = tpu.memref_squeeze %dma_start3A_110 : memref<1x2x128xi32, #tpu.memory_space<hbm>> -> memref<2x128xi32, #tpu.memory_space<hbm>>
      %dma_start3A_112 = arith.constant 0 : i32
      %dma_start3A_113 = arith.constant 0 : i32
      %dma_start3A_114 = tpu.memref_slice %arg5[%run_scoped3A_28, %dma_start3A_112, %dma_start3A_113] : memref<3x2x128xi32, #tpu.memory_space<vmem>> -> memref<1x2x128xi32, #tpu.memory_space<vmem>>
      %dma_start3A_115 = tpu.memref_squeeze %dma_start3A_114 : memref<1x2x128xi32, #tpu.memory_space<vmem>> -> memref<2x128xi32, #tpu.memory_space<vmem>>
      %dma_start3A_116 = arith.constant 0 : i32
      %dma_start3A_117 = arith.constant 0 : i32
      %dma_start3A_118 = tpu.memref_slice %arg3[%mul3A_27, %dma_start3A_116, %dma_start3A_117] : memref<2560x2x128xi32, #tpu.memory_space<hbm>> -> memref<1x2x128xi32, #tpu.memory_space<hbm>>
      %dma_start3A_119 = tpu.memref_squeeze %dma_start3A_118 : memref<1x2x128xi32, #tpu.memory_space<hbm>> -> memref<2x128xi32, #tpu.memory_space<hbm>>
      tpu.enqueue_dma source(%dma_start3A_119 : memref<2x128xi32, #tpu.memory_space<hbm>>) target(%dma_start3A_115 : memref<2x128xi32, #tpu.memory_space<vmem>>) target_semaphore(%run_scoped3A_103 : memref<!tpu.dma_semaphore, #tpu.memory_space<semaphore_mem>>)
      %dma_wait3A_120 = arith.constant 0 : i32
      %dma_wait3A_121 = arith.constant 0 : i32
      %dma_wait3A_122 = tpu.memref_slice %arg5[%run_scoped3A_28, %dma_wait3A_120, %dma_wait3A_121] : memref<3x2x128xi32, #tpu.memory_space<vmem>> -> memref<1x2x128xi32, #tpu.memory_space<vmem>>
      %dma_wait3A_123 = tpu.memref_squeeze %dma_wait3A_122 : memref<1x2x128xi32, #tpu.memory_space<vmem>> -> memref<2x128xi32, #tpu.memory_space<vmem>>
      %dma_wait3A_124 = arith.constant 0 : i32
      %dma_wait3A_125 = arith.constant 0 : i32
      %dma_wait3A_126 = tpu.memref_slice %arg3[%mul3A_27, %dma_wait3A_124, %dma_wait3A_125] : memref<2560x2x128xi32, #tpu.memory_space<hbm>> -> memref<1x2x128xi32, #tpu.memory_space<hbm>>
      %dma_wait3A_127 = tpu.memref_squeeze %dma_wait3A_126 : memref<1x2x128xi32, #tpu.memory_space<hbm>> -> memref<2x128xi32, #tpu.memory_space<hbm>>
      %dma_wait3A_128 = arith.constant 0 : i32
      %dma_wait3A_129 = arith.constant 0 : i32
      %dma_wait3A_130 = tpu.memref_slice %arg5[%run_scoped3A_28, %dma_wait3A_128, %dma_wait3A_129] : memref<3x2x128xi32, #tpu.memory_space<vmem>> -> memref<1x2x128xi32, #tpu.memory_space<vmem>>
      %dma_wait3A_131 = tpu.memref_squeeze %dma_wait3A_130 : memref<1x2x128xi32, #tpu.memory_space<vmem>> -> memref<2x128xi32, #tpu.memory_space<vmem>>
      %dma_wait3A_132 = arith.constant 0 : i32
      %dma_wait3A_133 = arith.constant 0 : i32
      %dma_wait3A_134 = tpu.memref_slice %arg3[%mul3A_27, %dma_wait3A_132, %dma_wait3A_133] : memref<2560x2x128xi32, #tpu.memory_space<hbm>> -> memref<1x2x128xi32, #tpu.memory_space<hbm>>
      %dma_wait3A_135 = tpu.memref_squeeze %dma_wait3A_134 : memref<1x2x128xi32, #tpu.memory_space<hbm>> -> memref<2x128xi32, #tpu.memory_space<hbm>>
      tpu.wait_dma2 semaphore(%run_scoped3A_103 : memref<!tpu.dma_semaphore, #tpu.memory_space<semaphore_mem>>) src(%dma_wait3A_135 : memref<2x128xi32, #tpu.memory_space<hbm>>) dst(%dma_wait3A_131 : memref<2x128xi32, #tpu.memory_space<vmem>>)
      tpu.yield
    }) : () -> ()
    %add3A_29 = arith.constant 1 : i32
    %add3A_30 = arith.addi %mul3A_27, %add3A_29 : i32
    %dma_start3A = arith.constant 1 : i32
    %dma_start3A_31 = arith.constant 0 : i32
    %dma_start3A_32 = arith.constant 0 : i32
    %dma_start3A_33 = tpu.memref_slice %arg5[%dma_start3A, %dma_start3A_31, %dma_start3A_32] : memref<3x2x128xi32, #tpu.memory_space<vmem>> -> memref<1x2x128xi32, #tpu.memory_space<vmem>>
    %dma_start3A_34 = tpu.memref_squeeze %dma_start3A_33 : memref<1x2x128xi32, #tpu.memory_space<vmem>> -> memref<2x128xi32, #tpu.memory_space<vmem>>
    %dma_start3A_35 = arith.constant 0 : i32
    %dma_start3A_36 = arith.constant 0 : i32
    %dma_start3A_37 = tpu.memref_slice %arg3[%add3A_30, %dma_start3A_35, %dma_start3A_36] : memref<2560x2x128xi32, #tpu.memory_space<hbm>> -> memref<1x2x128xi32, #tpu.memory_space<hbm>>
    %dma_start3A_38 = tpu.memref_squeeze %dma_start3A_37 : memref<1x2x128xi32, #tpu.memory_space<hbm>> -> memref<2x128xi32, #tpu.memory_space<hbm>>
    %dma_start3A_39 = arith.constant 0 : i32
    %dma_start3A_40 = arith.constant 0 : i32
    %dma_start3A_41 = tpu.memref_slice %arg5[%dma_start3A, %dma_start3A_39, %dma_start3A_40] : memref<3x2x128xi32, #tpu.memory_space<vmem>> -> memref<1x2x128xi32, #tpu.memory_space<vmem>>
    %dma_start3A_42 = tpu.memref_squeeze %dma_start3A_41 : memref<1x2x128xi32, #tpu.memory_space<vmem>> -> memref<2x128xi32, #tpu.memory_space<vmem>>
    %dma_start3A_43 = arith.constant 0 : i32
    %dma_start3A_44 = arith.constant 0 : i32
    %dma_start3A_45 = tpu.memref_slice %arg3[%add3A_30, %dma_start3A_43, %dma_start3A_44] : memref<2560x2x128xi32, #tpu.memory_space<hbm>> -> memref<1x2x128xi32, #tpu.memory_space<hbm>>
    %dma_start3A_46 = tpu.memref_squeeze %dma_start3A_45 : memref<1x2x128xi32, #tpu.memory_space<hbm>> -> memref<2x128xi32, #tpu.memory_space<hbm>>
    tpu.enqueue_dma source(%dma_start3A_46 : memref<2x128xi32, #tpu.memory_space<hbm>>) target(%dma_start3A_42 : memref<2x128xi32, #tpu.memory_space<vmem>>) target_semaphore(%arg9 : memref<!tpu.dma_semaphore, #tpu.memory_space<semaphore_mem>>)
    %dma_start3A_47 = arith.constant 0 : i32
    %dma_start3A_48 = arith.constant 0 : i32
    %dma_start3A_49 = arith.constant 0 : i32
    %dma_start3A_50 = arith.constant 0 : i32
    %dma_start3A_51 = arith.constant 0 : i32
    %dma_start3A_52 = tpu.memref_slice %arg6[%dma_start3A_49, %dma_start3A_50, %dma_start3A_51] : memref<2x128x128xf32, #tpu.memory_space<vmem>> -> memref<1x128x128xf32, #tpu.memory_space<vmem>>
    %dma_start3A_53 = tpu.memref_squeeze %dma_start3A_52 : memref<1x128x128xf32, #tpu.memory_space<vmem>> -> memref<128x128xf32, #tpu.memory_space<vmem>>
    %dma_start3A_54 = arith.constant 0 : i32
    %dma_start3A_55 = tpu.memref_slice %arg5[%dma_start3A_47, %dma_start3A_48, %dma_start3A_54] : memref<3x2x128xi32, #tpu.memory_space<vmem>> -> memref<1x1x128xi32, #tpu.memory_space<vmem>>
    %dma_start3A_56 = tpu.memref_squeeze %dma_start3A_55 : memref<1x1x128xi32, #tpu.memory_space<vmem>> -> memref<128xi32, #tpu.memory_space<vmem>>
    %dma_start3A_57 = arith.constant 0 : i32
    %dma_start3A_58 = arith.constant 0 : i32
    %dma_start3A_59 = tpu.memref_slice %arg2[%dma_start3A_57, %dma_start3A_58] : memref<10240x128xf32, #tpu.memory_space<hbm>> -> memref<10240x128xf32, #tpu.memory_space<hbm>>
    tpu.enqueue_indirect_dma source(%dma_start3A_59 : memref<10240x128xf32, #tpu.memory_space<hbm>>) target(%dma_start3A_53 : memref<128x128xf32, #tpu.memory_space<vmem>>) offsets(%dma_start3A_56 : memref<128xi32, #tpu.memory_space<vmem>>) semaphore(%arg8 : memref<!tpu.dma_semaphore, #tpu.memory_space<semaphore_mem>>)
    %barrier3A = arith.constant 0 : index
    tpu.barrier barrier_id(%barrier3A)
    %scan3A = arith.constant 0 : i32
    %scan3A_60 = arith.constant 0 : i32
    %scan3A_61 = arith.constant 80 : i32
    %scan3A_62 = arith.addi %scan3A_60, %scan3A_61 : i32
    %scan3A_63 = arith.constant 1 : i32
    %scan3A_64 = scf.for %scan3A_103 = %scan3A_60 to %scan3A_62 step %scan3A_63 iter_args(%scan3A_104 = %scan3A) -> (i32)  : i32 {
      %rem3A = arith.constant 2 : i32
      %rem3A_105 = arith.remsi %scan3A_103, %rem3A : i32
      %add3A_106 = arith.constant 1 : i32
      %add3A_107 = arith.addi %scan3A_103, %add3A_106 : i32
      %rem3A_108 = arith.constant 2 : i32
      %rem3A_109 = arith.remsi %add3A_107, %rem3A_108 : i32
      %rem3A_110 = arith.constant 3 : i32
      %rem3A_111 = arith.remsi %scan3A_103, %rem3A_110 : i32
      %add3A_112 = arith.constant 1 : i32
      %add3A_113 = arith.addi %scan3A_103, %add3A_112 : i32
      %rem3A_114 = arith.constant 3 : i32
      %rem3A_115 = arith.remsi %add3A_113, %rem3A_114 : i32
      %add3A_116 = arith.constant 2 : i32
      %add3A_117 = arith.addi %scan3A_103, %add3A_116 : i32
      %rem3A_118 = arith.constant 3 : i32
      %rem3A_119 = arith.remsi %add3A_117, %rem3A_118 : i32
      %add3A_120 = arith.constant 1 : i32
      %add3A_121 = arith.addi %scan3A_103, %add3A_120 : i32
      %min3A = arith.constant 79 : i32
      %min3A_122 = arith.minsi %add3A_121, %min3A : i32
      %add3A_123 = arith.constant 2 : i32
      %add3A_124 = arith.addi %scan3A_103, %add3A_123 : i32
      %min3A_125 = arith.constant 79 : i32
      %min3A_126 = arith.minsi %add3A_124, %min3A_125 : i32
      %dma_wait3A_127 = arith.constant 0 : i32
      %dma_wait3A_128 = arith.constant 0 : i32
      %dma_wait3A_129 = arith.constant 0 : i32
      %dma_wait3A_130 = tpu.memref_slice %arg6[%rem3A_105, %dma_wait3A_128, %dma_wait3A_129] : memref<2x128x128xf32, #tpu.memory_space<vmem>> -> memref<1x128x128xf32, #tpu.memory_space<vmem>>
      %dma_wait3A_131 = tpu.memref_squeeze %dma_wait3A_130 : memref<1x128x128xf32, #tpu.memory_space<vmem>> -> memref<128x128xf32, #tpu.memory_space<vmem>>
      %dma_wait3A_132 = arith.constant 0 : i32
      %dma_wait3A_133 = tpu.memref_slice %arg5[%rem3A_111, %dma_wait3A_127, %dma_wait3A_132] : memref<3x2x128xi32, #tpu.memory_space<vmem>> -> memref<1x1x128xi32, #tpu.memory_space<vmem>>
      %dma_wait3A_134 = tpu.memref_squeeze %dma_wait3A_133 : memref<1x1x128xi32, #tpu.memory_space<vmem>> -> memref<128xi32, #tpu.memory_space<vmem>>
      %dma_wait3A_135 = arith.constant 0 : i32
      %dma_wait3A_136 = arith.constant 0 : i32
      %dma_wait3A_137 = tpu.memref_slice %arg2[%dma_wait3A_135, %dma_wait3A_136] : memref<10240x128xf32, #tpu.memory_space<hbm>> -> memref<10240x128xf32, #tpu.memory_space<hbm>>
      tpu.wait_indirect_dma semaphore(%arg8 : memref<!tpu.dma_semaphore, #tpu.memory_space<semaphore_mem>>) src(%dma_wait3A_137 : memref<10240x128xf32, #tpu.memory_space<hbm>>) dst(%dma_wait3A_131 : memref<128x128xf32, #tpu.memory_space<vmem>>)
      %add3A_138 = arith.addi %mul3A_27, %min3A_122 : i32
      %dma_wait3A_139 = arith.constant 0 : i32
      %dma_wait3A_140 = arith.constant 0 : i32
      %dma_wait3A_141 = tpu.memref_slice %arg5[%rem3A_115, %dma_wait3A_139, %dma_wait3A_140] : memref<3x2x128xi32, #tpu.memory_space<vmem>> -> memref<1x2x128xi32, #tpu.memory_space<vmem>>
      %dma_wait3A_142 = tpu.memref_squeeze %dma_wait3A_141 : memref<1x2x128xi32, #tpu.memory_space<vmem>> -> memref<2x128xi32, #tpu.memory_space<vmem>>
      %dma_wait3A_143 = arith.constant 0 : i32
      %dma_wait3A_144 = arith.constant 0 : i32
      %dma_wait3A_145 = tpu.memref_slice %arg3[%add3A_138, %dma_wait3A_143, %dma_wait3A_144] : memref<2560x2x128xi32, #tpu.memory_space<hbm>> -> memref<1x2x128xi32, #tpu.memory_space<hbm>>
      %dma_wait3A_146 = tpu.memref_squeeze %dma_wait3A_145 : memref<1x2x128xi32, #tpu.memory_space<hbm>> -> memref<2x128xi32, #tpu.memory_space<hbm>>
      %dma_wait3A_147 = arith.constant 0 : i32
      %dma_wait3A_148 = arith.constant 0 : i32
      %dma_wait3A_149 = tpu.memref_slice %arg5[%rem3A_115, %dma_wait3A_147, %dma_wait3A_148] : memref<3x2x128xi32, #tpu.memory_space<vmem>> -> memref<1x2x128xi32, #tpu.memory_space<vmem>>
      %dma_wait3A_150 = tpu.memref_squeeze %dma_wait3A_149 : memref<1x2x128xi32, #tpu.memory_space<vmem>> -> memref<2x128xi32, #tpu.memory_space<vmem>>
      %dma_wait3A_151 = arith.constant 0 : i32
      %dma_wait3A_152 = arith.constant 0 : i32
      %dma_wait3A_153 = tpu.memref_slice %arg3[%add3A_138, %dma_wait3A_151, %dma_wait3A_152] : memref<2560x2x128xi32, #tpu.memory_space<hbm>> -> memref<1x2x128xi32, #tpu.memory_space<hbm>>
      %dma_wait3A_154 = tpu.memref_squeeze %dma_wait3A_153 : memref<1x2x128xi32, #tpu.memory_space<hbm>> -> memref<2x128xi32, #tpu.memory_space<hbm>>
      tpu.wait_dma2 semaphore(%arg9 : memref<!tpu.dma_semaphore, #tpu.memory_space<semaphore_mem>>) src(%dma_wait3A_154 : memref<2x128xi32, #tpu.memory_space<hbm>>) dst(%dma_wait3A_150 : memref<2x128xi32, #tpu.memory_space<vmem>>)
      %dma_start3A_155 = arith.constant 0 : i32
      %dma_start3A_156 = arith.constant 0 : i32
      %dma_start3A_157 = arith.constant 0 : i32
      %dma_start3A_158 = tpu.memref_slice %arg6[%rem3A_109, %dma_start3A_156, %dma_start3A_157] : memref<2x128x128xf32, #tpu.memory_space<vmem>> -> memref<1x128x128xf32, #tpu.memory_space<vmem>>
      %dma_start3A_159 = tpu.memref_squeeze %dma_start3A_158 : memref<1x128x128xf32, #tpu.memory_space<vmem>> -> memref<128x128xf32, #tpu.memory_space<vmem>>
      %dma_start3A_160 = arith.constant 0 : i32
      %dma_start3A_161 = tpu.memref_slice %arg5[%rem3A_115, %dma_start3A_155, %dma_start3A_160] : memref<3x2x128xi32, #tpu.memory_space<vmem>> -> memref<1x1x128xi32, #tpu.memory_space<vmem>>
      %dma_start3A_162 = tpu.memref_squeeze %dma_start3A_161 : memref<1x1x128xi32, #tpu.memory_space<vmem>> -> memref<128xi32, #tpu.memory_space<vmem>>
      %dma_start3A_163 = arith.constant 0 : i32
      %dma_start3A_164 = arith.constant 0 : i32
      %dma_start3A_165 = tpu.memref_slice %arg2[%dma_start3A_163, %dma_start3A_164] : memref<10240x128xf32, #tpu.memory_space<hbm>> -> memref<10240x128xf32, #tpu.memory_space<hbm>>
      tpu.enqueue_indirect_dma source(%dma_start3A_165 : memref<10240x128xf32, #tpu.memory_space<hbm>>) target(%dma_start3A_159 : memref<128x128xf32, #tpu.memory_space<vmem>>) offsets(%dma_start3A_162 : memref<128xi32, #tpu.memory_space<vmem>>) semaphore(%arg8 : memref<!tpu.dma_semaphore, #tpu.memory_space<semaphore_mem>>)
      %add3A_166 = arith.addi %mul3A_27, %min3A_126 : i32
      %dma_start3A_167 = arith.constant 0 : i32
      %dma_start3A_168 = arith.constant 0 : i32
      %dma_start3A_169 = tpu.memref_slice %arg5[%rem3A_119, %dma_start3A_167, %dma_start3A_168] : memref<3x2x128xi32, #tpu.memory_space<vmem>> -> memref<1x2x128xi32, #tpu.memory_space<vmem>>
      %dma_start3A_170 = tpu.memref_squeeze %dma_start3A_169 : memref<1x2x128xi32, #tpu.memory_space<vmem>> -> memref<2x128xi32, #tpu.memory_space<vmem>>
      %dma_start3A_171 = arith.constant 0 : i32
      %dma_start3A_172 = arith.constant 0 : i32
      %dma_start3A_173 = tpu.memref_slice %arg3[%add3A_166, %dma_start3A_171, %dma_start3A_172] : memref<2560x2x128xi32, #tpu.memory_space<hbm>> -> memref<1x2x128xi32, #tpu.memory_space<hbm>>
      %dma_start3A_174 = tpu.memref_squeeze %dma_start3A_173 : memref<1x2x128xi32, #tpu.memory_space<hbm>> -> memref<2x128xi32, #tpu.memory_space<hbm>>
      %dma_start3A_175 = arith.constant 0 : i32
      %dma_start3A_176 = arith.constant 0 : i32
      %dma_start3A_177 = tpu.memref_slice %arg5[%rem3A_119, %dma_start3A_175, %dma_start3A_176] : memref<3x2x128xi32, #tpu.memory_space<vmem>> -> memref<1x2x128xi32, #tpu.memory_space<vmem>>
      %dma_start3A_178 = tpu.memref_squeeze %dma_start3A_177 : memref<1x2x128xi32, #tpu.memory_space<vmem>> -> memref<2x128xi32, #tpu.memory_space<vmem>>
      %dma_start3A_179 = arith.constant 0 : i32
      %dma_start3A_180 = arith.constant 0 : i32
      %dma_start3A_181 = tpu.memref_slice %arg3[%add3A_166, %dma_start3A_179, %dma_start3A_180] : memref<2560x2x128xi32, #tpu.memory_space<hbm>> -> memref<1x2x128xi32, #tpu.memory_space<hbm>>
      %dma_start3A_182 = tpu.memref_squeeze %dma_start3A_181 : memref<1x2x128xi32, #tpu.memory_space<hbm>> -> memref<2x128xi32, #tpu.memory_space<hbm>>
      tpu.enqueue_dma source(%dma_start3A_182 : memref<2x128xi32, #tpu.memory_space<hbm>>) target(%dma_start3A_178 : memref<2x128xi32, #tpu.memory_space<vmem>>) target_semaphore(%arg9 : memref<!tpu.dma_semaphore, #tpu.memory_space<semaphore_mem>>)
      %run_scoped3A_183 = arith.constant 1 : i32
      "tpu.region"() ({
        %run_scoped3A_185 = tpu.sem_alloc : memref<!tpu.dma_semaphore, #tpu.memory_space<semaphore_mem>>
        %dma_start3A_186 = arith.constant 0 : i32
        %dma_start3A_187 = arith.constant 0 : i32
        %dma_start3A_188 = tpu.memref_slice %arg6[%rem3A_105, %dma_start3A_186, %dma_start3A_187] : memref<2x128x128xf32, #tpu.memory_space<vmem>> -> memref<1x128x128xf32, #tpu.memory_space<vmem>>
        %dma_start3A_189 = tpu.memref_squeeze %dma_start3A_188 : memref<1x128x128xf32, #tpu.memory_space<vmem>> -> memref<128x128xf32, #tpu.memory_space<vmem>>
        %dma_start3A_190 = arith.constant 0 : i32
        %dma_start3A_191 = tpu.memref_slice %arg5[%rem3A_111, %run_scoped3A_183, %dma_start3A_190] : memref<3x2x128xi32, #tpu.memory_space<vmem>> -> memref<1x1x128xi32, #tpu.memory_space<vmem>>
        %dma_start3A_192 = tpu.memref_squeeze %dma_start3A_191 : memref<1x1x128xi32, #tpu.memory_space<vmem>> -> memref<128xi32, #tpu.memory_space<vmem>>
        %dma_start3A_193 = arith.constant 0 : i32
        %dma_start3A_194 = arith.constant 0 : i32
        %dma_start3A_195 = tpu.memref_slice %arg7[%dma_start3A_193, %dma_start3A_194] : memref<10240x128xf32, #tpu.memory_space<vmem_shared>> -> memref<10240x128xf32, #tpu.memory_space<vmem_shared>>
        tpu.enqueue_indirect_dma source(%dma_start3A_189 : memref<128x128xf32, #tpu.memory_space<vmem>>) target(%dma_start3A_195 : memref<10240x128xf32, #tpu.memory_space<vmem_shared>>) offsets(%dma_start3A_192 : memref<128xi32, #tpu.memory_space<vmem>>) semaphore(%run_scoped3A_185 : memref<!tpu.dma_semaphore, #tpu.memory_space<semaphore_mem>>) {add = true}
        %dma_wait3A_196 = arith.constant 0 : i32
        %dma_wait3A_197 = arith.constant 0 : i32
        %dma_wait3A_198 = tpu.memref_slice %arg6[%rem3A_105, %dma_wait3A_196, %dma_wait3A_197] : memref<2x128x128xf32, #tpu.memory_space<vmem>> -> memref<1x128x128xf32, #tpu.memory_space<vmem>>
        %dma_wait3A_199 = tpu.memref_squeeze %dma_wait3A_198 : memref<1x128x128xf32, #tpu.memory_space<vmem>> -> memref<128x128xf32, #tpu.memory_space<vmem>>
        %dma_wait3A_200 = arith.constant 0 : i32
        %dma_wait3A_201 = tpu.memref_slice %arg5[%rem3A_111, %run_scoped3A_183, %dma_wait3A_200] : memref<3x2x128xi32, #tpu.memory_space<vmem>> -> memref<1x1x128xi32, #tpu.memory_space<vmem>>
        %dma_wait3A_202 = tpu.memref_squeeze %dma_wait3A_201 : memref<1x1x128xi32, #tpu.memory_space<vmem>> -> memref<128xi32, #tpu.memory_space<vmem>>
        %dma_wait3A_203 = arith.constant 0 : i32
        %dma_wait3A_204 = arith.constant 0 : i32
        %dma_wait3A_205 = tpu.memref_slice %arg7[%dma_wait3A_203, %dma_wait3A_204] : memref<10240x128xf32, #tpu.memory_space<vmem_shared>> -> memref<10240x128xf32, #tpu.memory_space<vmem_shared>>
        tpu.wait_indirect_dma semaphore(%run_scoped3A_185 : memref<!tpu.dma_semaphore, #tpu.memory_space<semaphore_mem>>) src(%dma_wait3A_199 : memref<128x128xf32, #tpu.memory_space<vmem>>) dst(%dma_wait3A_205 : memref<10240x128xf32, #tpu.memory_space<vmem_shared>>)
        tpu.yield
      }) : () -> ()
      %scan3A_184 = arith.constant 0 : i32
      scf.yield %scan3A_184 : i32
    }
    %scan3A_65 = arith.constant 80 : i32
    %dma_wait3A = arith.constant 2 : i32
    %dma_wait3A_66 = arith.constant 0 : i32
    %dma_wait3A_67 = arith.constant 0 : i32
    %dma_wait3A_68 = arith.constant 0 : i32
    %dma_wait3A_69 = arith.constant 0 : i32
    %dma_wait3A_70 = tpu.memref_slice %arg6[%dma_wait3A_67, %dma_wait3A_68, %dma_wait3A_69] : memref<2x128x128xf32, #tpu.memory_space<vmem>> -> memref<1x128x128xf32, #tpu.memory_space<vmem>>
    %dma_wait3A_71 = tpu.memref_squeeze %dma_wait3A_70 : memref<1x128x128xf32, #tpu.memory_space<vmem>> -> memref<128x128xf32, #tpu.memory_space<vmem>>
    %dma_wait3A_72 = arith.constant 0 : i32
    %dma_wait3A_73 = tpu.memref_slice %arg5[%dma_wait3A, %dma_wait3A_66, %dma_wait3A_72] : memref<3x2x128xi32, #tpu.memory_space<vmem>> -> memref<1x1x128xi32, #tpu.memory_space<vmem>>
    %dma_wait3A_74 = tpu.memref_squeeze %dma_wait3A_73 : memref<1x1x128xi32, #tpu.memory_space<vmem>> -> memref<128xi32, #tpu.memory_space<vmem>>
    %dma_wait3A_75 = arith.constant 0 : i32
    %dma_wait3A_76 = arith.constant 0 : i32
    %dma_wait3A_77 = tpu.memref_slice %arg2[%dma_wait3A_75, %dma_wait3A_76] : memref<10240x128xf32, #tpu.memory_space<hbm>> -> memref<10240x128xf32, #tpu.memory_space<hbm>>
    tpu.wait_indirect_dma semaphore(%arg8 : memref<!tpu.dma_semaphore, #tpu.memory_space<semaphore_mem>>) src(%dma_wait3A_77 : memref<10240x128xf32, #tpu.memory_space<hbm>>) dst(%dma_wait3A_71 : memref<128x128xf32, #tpu.memory_space<vmem>>)
    %add3A_78 = arith.constant 80 : i32
    %add3A_79 = arith.addi %mul3A_27, %add3A_78 : i32
    %sub3A = arith.constant 1 : i32
    %sub3A_80 = arith.subi %add3A_79, %sub3A : i32
    %dma_wait3A_81 = arith.constant 0 : i32
    %dma_wait3A_82 = arith.constant 0 : i32
    %dma_wait3A_83 = arith.constant 0 : i32
    %dma_wait3A_84 = tpu.memref_slice %arg5[%dma_wait3A_81, %dma_wait3A_82, %dma_wait3A_83] : memref<3x2x128xi32, #tpu.memory_space<vmem>> -> memref<1x2x128xi32, #tpu.memory_space<vmem>>
    %dma_wait3A_85 = tpu.memref_squeeze %dma_wait3A_84 : memref<1x2x128xi32, #tpu.memory_space<vmem>> -> memref<2x128xi32, #tpu.memory_space<vmem>>
    %dma_wait3A_86 = arith.constant 0 : i32
    %dma_wait3A_87 = arith.constant 0 : i32
    %dma_wait3A_88 = tpu.memref_slice %arg3[%sub3A_80, %dma_wait3A_86, %dma_wait3A_87] : memref<2560x2x128xi32, #tpu.memory_space<hbm>> -> memref<1x2x128xi32, #tpu.memory_space<hbm>>
    %dma_wait3A_89 = tpu.memref_squeeze %dma_wait3A_88 : memref<1x2x128xi32, #tpu.memory_space<hbm>> -> memref<2x128xi32, #tpu.memory_space<hbm>>
    %dma_wait3A_90 = arith.constant 0 : i32
    %dma_wait3A_91 = arith.constant 0 : i32
    %dma_wait3A_92 = tpu.memref_slice %arg5[%dma_wait3A_81, %dma_wait3A_90, %dma_wait3A_91] : memref<3x2x128xi32, #tpu.memory_space<vmem>> -> memref<1x2x128xi32, #tpu.memory_space<vmem>>
    %dma_wait3A_93 = tpu.memref_squeeze %dma_wait3A_92 : memref<1x2x128xi32, #tpu.memory_space<vmem>> -> memref<2x128xi32, #tpu.memory_space<vmem>>
    %dma_wait3A_94 = arith.constant 0 : i32
    %dma_wait3A_95 = arith.constant 0 : i32
    %dma_wait3A_96 = tpu.memref_slice %arg3[%sub3A_80, %dma_wait3A_94, %dma_wait3A_95] : memref<2560x2x128xi32, #tpu.memory_space<hbm>> -> memref<1x2x128xi32, #tpu.memory_space<hbm>>
    %dma_wait3A_97 = tpu.memref_squeeze %dma_wait3A_96 : memref<1x2x128xi32, #tpu.memory_space<hbm>> -> memref<2x128xi32, #tpu.memory_space<hbm>>
    tpu.wait_dma2 semaphore(%arg9 : memref<!tpu.dma_semaphore, #tpu.memory_space<semaphore_mem>>) src(%dma_wait3A_97 : memref<2x128xi32, #tpu.memory_space<hbm>>) dst(%dma_wait3A_93 : memref<2x128xi32, #tpu.memory_space<vmem>>)
    %barrier3A_98 = arith.constant 0 : index
    tpu.barrier barrier_id(%barrier3A_98)
    %mul3A_99 = arith.constant 640 : i32
    %mul3A_100 = arith.muli %arg1, %mul3A_99 : i32
    %mul3A_101 = arith.constant 640 : i32
    %mul3A_102 = arith.muli %arg1, %mul3A_101 : i32
    "tpu.region"() ({
      %run_scoped3A_103 = tpu.sem_alloc : memref<!tpu.dma_semaphore, #tpu.memory_space<semaphore_mem>>
      %dma_start3A_104 = arith.constant 0 : i32
      %dma_start3A_105 = tpu.memref_slice %arg4[%arg0, %mul3A_102, %dma_start3A_104] : memref<2x10240x128xf32, #tpu.memory_space<hbm>> -> memref<1x640x128xf32, #tpu.memory_space<hbm>>
      %dma_start3A_106 = tpu.memref_squeeze %dma_start3A_105 : memref<1x640x128xf32, #tpu.memory_space<hbm>> -> memref<640x128xf32, #tpu.memory_space<hbm>>
      %dma_start3A_107 = arith.constant 0 : i32
      %dma_start3A_108 = tpu.memref_slice %arg7[%mul3A_100, %dma_start3A_107] : memref<10240x128xf32, #tpu.memory_space<vmem_shared>> -> memref<640x128xf32, #tpu.memory_space<vmem_shared>>
      tpu.enqueue_dma source(%dma_start3A_108 : memref<640x128xf32, #tpu.memory_space<vmem_shared>>) target(%dma_start3A_106 : memref<640x128xf32, #tpu.memory_space<hbm>>) target_semaphore(%run_scoped3A_103 : memref<!tpu.dma_semaphore, #tpu.memory_space<semaphore_mem>>)
      %dma_wait3A_109 = arith.constant 0 : i32
      %dma_wait3A_110 = tpu.memref_slice %arg4[%arg0, %mul3A_102, %dma_wait3A_109] : memref<2x10240x128xf32, #tpu.memory_space<hbm>> -> memref<1x640x128xf32, #tpu.memory_space<hbm>>
      %dma_wait3A_111 = tpu.memref_squeeze %dma_wait3A_110 : memref<1x640x128xf32, #tpu.memory_space<hbm>> -> memref<640x128xf32, #tpu.memory_space<hbm>>
      %dma_wait3A_112 = arith.constant 0 : i32
      %dma_wait3A_113 = tpu.memref_slice %arg7[%mul3A_100, %dma_wait3A_112] : memref<10240x128xf32, #tpu.memory_space<vmem_shared>> -> memref<640x128xf32, #tpu.memory_space<vmem_shared>>
      tpu.wait_dma2 semaphore(%run_scoped3A_103 : memref<!tpu.dma_semaphore, #tpu.memory_space<semaphore_mem>>) src(%dma_wait3A_113 : memref<640x128xf32, #tpu.memory_space<vmem_shared>>) dst(%dma_wait3A_111 : memref<640x128xf32, #tpu.memory_space<hbm>>)
      tpu.yield
    }) : () -> ()
    return
  }
}

#map = affine_map<(d0, d1) -> (0, 0)>
#map1 = affine_map<(d0, d1) -> (0, 0, 0)>
module attributes {stable_mosaic.version = 14 : i64} {
  func.func @body(%arg0: i32, %arg1: i32, %arg2: memref<10240x128xf32, #tpu.memory_space<hbm>>, %arg3: memref<2560x2x128xi32, #tpu.memory_space<hbm>>, %arg4: memref<2x10240x128xf32, #tpu.memory_space<hbm>>, %arg5: memref<2x10240xf32, #tpu.memory_space<hbm>>, %arg6: memref<3x2x128xi32, #tpu.memory_space<vmem>>, %arg7: memref<2x128x128xf32, #tpu.memory_space<vmem>>, %arg8: memref<10240x128xf32, #tpu.memory_space<vmem_shared>>, %arg9: memref<!tpu.dma_semaphore, #tpu.memory_space<semaphore_mem>>, %arg10: memref<!tpu.dma_semaphore, #tpu.memory_space<semaphore_mem>>, %arg11: memref<!tpu.dma_semaphore, #tpu.memory_space<semaphore_mem>>, %arg12: memref<128xf32, #tpu.memory_space<vmem>>, %arg13: memref<640xf32, #tpu.memory_space<vmem>>, %arg14: memref<10240xf32, #tpu.memory_space<vmem_shared>>) attributes {dimension_semantics = [#tpu.dimension_semantics<core_parallel>, #tpu.dimension_semantics<subcore_parallel>], iteration_bounds = array<i64: 2, 16>, scalar_prefetch = 0 : i64, scratch_operands = 9 : i64, tpu.core_type = #tpu.core_type<sc_vector_subcore>, window_params = [{transform_indices = #map}, {transform_indices = #map1}, {transform_indices = #map1}, {transform_indices = #map}]} {
    %mul3A = arith.constant 2 : i32
    %mul3A_0 = arith.muli %arg1, %mul3A : i32
    %add3A = arith.addi %mul3A_0, %arg0 : i32
    %run_scoped3A = arith.constant 0 : i32
    "tpu.region"() ({
      %run_scoped3A_123 = tpu.sem_alloc : memref<!tpu.dma_semaphore, #tpu.memory_space<semaphore_mem>>
      %dma_start3A_124 = arith.constant 0 : i32
      %dma_start3A_125 = arith.constant 0 : i32
      %dma_start3A_126 = tpu.memref_slice %arg7[%run_scoped3A, %dma_start3A_124, %dma_start3A_125] : memref<2x128x128xf32, #tpu.memory_space<vmem>> -> memref<1x128x128xf32, #tpu.memory_space<vmem>>
      %dma_start3A_127 = tpu.memref_squeeze %dma_start3A_126 : memref<1x128x128xf32, #tpu.memory_space<vmem>> -> memref<128x128xf32, #tpu.memory_space<vmem>>
      %dma_start3A_128 = arith.constant 10000 : i32
      %dma_start3A_129 = arith.constant 0 : i32
      %dma_start3A_130 = tpu.memref_slice %arg2[%dma_start3A_128, %dma_start3A_129] : memref<10240x128xf32, #tpu.memory_space<hbm>> -> memref<128x128xf32, #tpu.memory_space<hbm>>
      %dma_start3A_131 = arith.constant 0 : i32
      %dma_start3A_132 = arith.constant 0 : i32
      %dma_start3A_133 = tpu.memref_slice %arg7[%run_scoped3A, %dma_start3A_131, %dma_start3A_132] : memref<2x128x128xf32, #tpu.memory_space<vmem>> -> memref<1x128x128xf32, #tpu.memory_space<vmem>>
      %dma_start3A_134 = tpu.memref_squeeze %dma_start3A_133 : memref<1x128x128xf32, #tpu.memory_space<vmem>> -> memref<128x128xf32, #tpu.memory_space<vmem>>
      %dma_start3A_135 = arith.constant 10000 : i32
      %dma_start3A_136 = arith.constant 0 : i32
      %dma_start3A_137 = tpu.memref_slice %arg2[%dma_start3A_135, %dma_start3A_136] : memref<10240x128xf32, #tpu.memory_space<hbm>> -> memref<128x128xf32, #tpu.memory_space<hbm>>
      tpu.enqueue_dma source(%dma_start3A_137 : memref<128x128xf32, #tpu.memory_space<hbm>>) target(%dma_start3A_134 : memref<128x128xf32, #tpu.memory_space<vmem>>) target_semaphore(%run_scoped3A_123 : memref<!tpu.dma_semaphore, #tpu.memory_space<semaphore_mem>>)
      %dma_wait3A_138 = arith.constant 0 : i32
      %dma_wait3A_139 = arith.constant 0 : i32
      %dma_wait3A_140 = tpu.memref_slice %arg7[%run_scoped3A, %dma_wait3A_138, %dma_wait3A_139] : memref<2x128x128xf32, #tpu.memory_space<vmem>> -> memref<1x128x128xf32, #tpu.memory_space<vmem>>
      %dma_wait3A_141 = tpu.memref_squeeze %dma_wait3A_140 : memref<1x128x128xf32, #tpu.memory_space<vmem>> -> memref<128x128xf32, #tpu.memory_space<vmem>>
      %dma_wait3A_142 = arith.constant 10000 : i32
      %dma_wait3A_143 = arith.constant 0 : i32
      %dma_wait3A_144 = tpu.memref_slice %arg2[%dma_wait3A_142, %dma_wait3A_143] : memref<10240x128xf32, #tpu.memory_space<hbm>> -> memref<128x128xf32, #tpu.memory_space<hbm>>
      %dma_wait3A_145 = arith.constant 0 : i32
      %dma_wait3A_146 = arith.constant 0 : i32
      %dma_wait3A_147 = tpu.memref_slice %arg7[%run_scoped3A, %dma_wait3A_145, %dma_wait3A_146] : memref<2x128x128xf32, #tpu.memory_space<vmem>> -> memref<1x128x128xf32, #tpu.memory_space<vmem>>
      %dma_wait3A_148 = tpu.memref_squeeze %dma_wait3A_147 : memref<1x128x128xf32, #tpu.memory_space<vmem>> -> memref<128x128xf32, #tpu.memory_space<vmem>>
      %dma_wait3A_149 = arith.constant 10000 : i32
      %dma_wait3A_150 = arith.constant 0 : i32
      %dma_wait3A_151 = tpu.memref_slice %arg2[%dma_wait3A_149, %dma_wait3A_150] : memref<10240x128xf32, #tpu.memory_space<hbm>> -> memref<128x128xf32, #tpu.memory_space<hbm>>
      tpu.wait_dma2 semaphore(%run_scoped3A_123 : memref<!tpu.dma_semaphore, #tpu.memory_space<semaphore_mem>>) src(%dma_wait3A_151 : memref<128x128xf32, #tpu.memory_space<hbm>>) dst(%dma_wait3A_148 : memref<128x128xf32, #tpu.memory_space<vmem>>)
      tpu.yield
    }) : () -> ()
    %mul3A_1 = arith.constant 640 : i32
    %mul3A_2 = arith.muli %arg1, %mul3A_1 : i32
    %add3A_3 = arith.constant 0 : i32
    %add3A_4 = arith.addi %mul3A_2, %add3A_3 : i32
    %run_scoped3A_5 = arith.constant 0 : i32
    "tpu.region"() ({
      %run_scoped3A_123 = tpu.sem_alloc : memref<!tpu.dma_semaphore, #tpu.memory_space<semaphore_mem>>
      %dma_start3A_124 = arith.constant 0 : i32
      %dma_start3A_125 = arith.constant 0 : i32
      %dma_start3A_126 = tpu.memref_slice %arg7[%run_scoped3A_5, %dma_start3A_124, %dma_start3A_125] : memref<2x128x128xf32, #tpu.memory_space<vmem>> -> memref<1x128x128xf32, #tpu.memory_space<vmem>>
      %dma_start3A_127 = tpu.memref_squeeze %dma_start3A_126 : memref<1x128x128xf32, #tpu.memory_space<vmem>> -> memref<128x128xf32, #tpu.memory_space<vmem>>
      %dma_start3A_128 = arith.constant 0 : i32
      %dma_start3A_129 = tpu.memref_slice %arg8[%add3A_4, %dma_start3A_128] : memref<10240x128xf32, #tpu.memory_space<vmem_shared>> -> memref<128x128xf32, #tpu.memory_space<vmem_shared>>
      %dma_start3A_130 = arith.constant 0 : i32
      %dma_start3A_131 = tpu.memref_slice %arg8[%add3A_4, %dma_start3A_130] : memref<10240x128xf32, #tpu.memory_space<vmem_shared>> -> memref<128x128xf32, #tpu.memory_space<vmem_shared>>
      %dma_start3A_132 = arith.constant 0 : i32
      %dma_start3A_133 = arith.constant 0 : i32
      %dma_start3A_134 = tpu.memref_slice %arg7[%run_scoped3A_5, %dma_start3A_132, %dma_start3A_133] : memref<2x128x128xf32, #tpu.memory_space<vmem>> -> memref<1x128x128xf32, #tpu.memory_space<vmem>>
      %dma_start3A_135 = tpu.memref_squeeze %dma_start3A_134 : memref<1x128x128xf32, #tpu.memory_space<vmem>> -> memref<128x128xf32, #tpu.memory_space<vmem>>
      tpu.enqueue_dma source(%dma_start3A_135 : memref<128x128xf32, #tpu.memory_space<vmem>>) target(%dma_start3A_131 : memref<128x128xf32, #tpu.memory_space<vmem_shared>>) target_semaphore(%run_scoped3A_123 : memref<!tpu.dma_semaphore, #tpu.memory_space<semaphore_mem>>)
      %dma_wait3A_136 = arith.constant 0 : i32
      %dma_wait3A_137 = arith.constant 0 : i32
      %dma_wait3A_138 = tpu.memref_slice %arg7[%run_scoped3A_5, %dma_wait3A_136, %dma_wait3A_137] : memref<2x128x128xf32, #tpu.memory_space<vmem>> -> memref<1x128x128xf32, #tpu.memory_space<vmem>>
      %dma_wait3A_139 = tpu.memref_squeeze %dma_wait3A_138 : memref<1x128x128xf32, #tpu.memory_space<vmem>> -> memref<128x128xf32, #tpu.memory_space<vmem>>
      %dma_wait3A_140 = arith.constant 0 : i32
      %dma_wait3A_141 = tpu.memref_slice %arg8[%add3A_4, %dma_wait3A_140] : memref<10240x128xf32, #tpu.memory_space<vmem_shared>> -> memref<128x128xf32, #tpu.memory_space<vmem_shared>>
      %dma_wait3A_142 = arith.constant 0 : i32
      %dma_wait3A_143 = tpu.memref_slice %arg8[%add3A_4, %dma_wait3A_142] : memref<10240x128xf32, #tpu.memory_space<vmem_shared>> -> memref<128x128xf32, #tpu.memory_space<vmem_shared>>
      %dma_wait3A_144 = arith.constant 0 : i32
      %dma_wait3A_145 = arith.constant 0 : i32
      %dma_wait3A_146 = tpu.memref_slice %arg7[%run_scoped3A_5, %dma_wait3A_144, %dma_wait3A_145] : memref<2x128x128xf32, #tpu.memory_space<vmem>> -> memref<1x128x128xf32, #tpu.memory_space<vmem>>
      %dma_wait3A_147 = tpu.memref_squeeze %dma_wait3A_146 : memref<1x128x128xf32, #tpu.memory_space<vmem>> -> memref<128x128xf32, #tpu.memory_space<vmem>>
      tpu.wait_dma2 semaphore(%run_scoped3A_123 : memref<!tpu.dma_semaphore, #tpu.memory_space<semaphore_mem>>) src(%dma_wait3A_147 : memref<128x128xf32, #tpu.memory_space<vmem>>) dst(%dma_wait3A_143 : memref<128x128xf32, #tpu.memory_space<vmem_shared>>)
      tpu.yield
    }) : () -> ()
    %mul3A_6 = arith.constant 640 : i32
    %mul3A_7 = arith.muli %arg1, %mul3A_6 : i32
    %add3A_8 = arith.constant 128 : i32
    %add3A_9 = arith.addi %mul3A_7, %add3A_8 : i32
    %run_scoped3A_10 = arith.constant 0 : i32
    "tpu.region"() ({
      %run_scoped3A_123 = tpu.sem_alloc : memref<!tpu.dma_semaphore, #tpu.memory_space<semaphore_mem>>
      %dma_start3A_124 = arith.constant 0 : i32
      %dma_start3A_125 = arith.constant 0 : i32
      %dma_start3A_126 = tpu.memref_slice %arg7[%run_scoped3A_10, %dma_start3A_124, %dma_start3A_125] : memref<2x128x128xf32, #tpu.memory_space<vmem>> -> memref<1x128x128xf32, #tpu.memory_space<vmem>>
      %dma_start3A_127 = tpu.memref_squeeze %dma_start3A_126 : memref<1x128x128xf32, #tpu.memory_space<vmem>> -> memref<128x128xf32, #tpu.memory_space<vmem>>
      %dma_start3A_128 = arith.constant 0 : i32
      %dma_start3A_129 = tpu.memref_slice %arg8[%add3A_9, %dma_start3A_128] : memref<10240x128xf32, #tpu.memory_space<vmem_shared>> -> memref<128x128xf32, #tpu.memory_space<vmem_shared>>
      %dma_start3A_130 = arith.constant 0 : i32
      %dma_start3A_131 = tpu.memref_slice %arg8[%add3A_9, %dma_start3A_130] : memref<10240x128xf32, #tpu.memory_space<vmem_shared>> -> memref<128x128xf32, #tpu.memory_space<vmem_shared>>
      %dma_start3A_132 = arith.constant 0 : i32
      %dma_start3A_133 = arith.constant 0 : i32
      %dma_start3A_134 = tpu.memref_slice %arg7[%run_scoped3A_10, %dma_start3A_132, %dma_start3A_133] : memref<2x128x128xf32, #tpu.memory_space<vmem>> -> memref<1x128x128xf32, #tpu.memory_space<vmem>>
      %dma_start3A_135 = tpu.memref_squeeze %dma_start3A_134 : memref<1x128x128xf32, #tpu.memory_space<vmem>> -> memref<128x128xf32, #tpu.memory_space<vmem>>
      tpu.enqueue_dma source(%dma_start3A_135 : memref<128x128xf32, #tpu.memory_space<vmem>>) target(%dma_start3A_131 : memref<128x128xf32, #tpu.memory_space<vmem_shared>>) target_semaphore(%run_scoped3A_123 : memref<!tpu.dma_semaphore, #tpu.memory_space<semaphore_mem>>)
      %dma_wait3A_136 = arith.constant 0 : i32
      %dma_wait3A_137 = arith.constant 0 : i32
      %dma_wait3A_138 = tpu.memref_slice %arg7[%run_scoped3A_10, %dma_wait3A_136, %dma_wait3A_137] : memref<2x128x128xf32, #tpu.memory_space<vmem>> -> memref<1x128x128xf32, #tpu.memory_space<vmem>>
      %dma_wait3A_139 = tpu.memref_squeeze %dma_wait3A_138 : memref<1x128x128xf32, #tpu.memory_space<vmem>> -> memref<128x128xf32, #tpu.memory_space<vmem>>
      %dma_wait3A_140 = arith.constant 0 : i32
      %dma_wait3A_141 = tpu.memref_slice %arg8[%add3A_9, %dma_wait3A_140] : memref<10240x128xf32, #tpu.memory_space<vmem_shared>> -> memref<128x128xf32, #tpu.memory_space<vmem_shared>>
      %dma_wait3A_142 = arith.constant 0 : i32
      %dma_wait3A_143 = tpu.memref_slice %arg8[%add3A_9, %dma_wait3A_142] : memref<10240x128xf32, #tpu.memory_space<vmem_shared>> -> memref<128x128xf32, #tpu.memory_space<vmem_shared>>
      %dma_wait3A_144 = arith.constant 0 : i32
      %dma_wait3A_145 = arith.constant 0 : i32
      %dma_wait3A_146 = tpu.memref_slice %arg7[%run_scoped3A_10, %dma_wait3A_144, %dma_wait3A_145] : memref<2x128x128xf32, #tpu.memory_space<vmem>> -> memref<1x128x128xf32, #tpu.memory_space<vmem>>
      %dma_wait3A_147 = tpu.memref_squeeze %dma_wait3A_146 : memref<1x128x128xf32, #tpu.memory_space<vmem>> -> memref<128x128xf32, #tpu.memory_space<vmem>>
      tpu.wait_dma2 semaphore(%run_scoped3A_123 : memref<!tpu.dma_semaphore, #tpu.memory_space<semaphore_mem>>) src(%dma_wait3A_147 : memref<128x128xf32, #tpu.memory_space<vmem>>) dst(%dma_wait3A_143 : memref<128x128xf32, #tpu.memory_space<vmem_shared>>)
      tpu.yield
    }) : () -> ()
    %mul3A_11 = arith.constant 640 : i32
    %mul3A_12 = arith.muli %arg1, %mul3A_11 : i32
    %add3A_13 = arith.constant 256 : i32
    %add3A_14 = arith.addi %mul3A_12, %add3A_13 : i32
    %run_scoped3A_15 = arith.constant 0 : i32
    "tpu.region"() ({
      %run_scoped3A_123 = tpu.sem_alloc : memref<!tpu.dma_semaphore, #tpu.memory_space<semaphore_mem>>
      %dma_start3A_124 = arith.constant 0 : i32
      %dma_start3A_125 = arith.constant 0 : i32
      %dma_start3A_126 = tpu.memref_slice %arg7[%run_scoped3A_15, %dma_start3A_124, %dma_start3A_125] : memref<2x128x128xf32, #tpu.memory_space<vmem>> -> memref<1x128x128xf32, #tpu.memory_space<vmem>>
      %dma_start3A_127 = tpu.memref_squeeze %dma_start3A_126 : memref<1x128x128xf32, #tpu.memory_space<vmem>> -> memref<128x128xf32, #tpu.memory_space<vmem>>
      %dma_start3A_128 = arith.constant 0 : i32
      %dma_start3A_129 = tpu.memref_slice %arg8[%add3A_14, %dma_start3A_128] : memref<10240x128xf32, #tpu.memory_space<vmem_shared>> -> memref<128x128xf32, #tpu.memory_space<vmem_shared>>
      %dma_start3A_130 = arith.constant 0 : i32
      %dma_start3A_131 = tpu.memref_slice %arg8[%add3A_14, %dma_start3A_130] : memref<10240x128xf32, #tpu.memory_space<vmem_shared>> -> memref<128x128xf32, #tpu.memory_space<vmem_shared>>
      %dma_start3A_132 = arith.constant 0 : i32
      %dma_start3A_133 = arith.constant 0 : i32
      %dma_start3A_134 = tpu.memref_slice %arg7[%run_scoped3A_15, %dma_start3A_132, %dma_start3A_133] : memref<2x128x128xf32, #tpu.memory_space<vmem>> -> memref<1x128x128xf32, #tpu.memory_space<vmem>>
      %dma_start3A_135 = tpu.memref_squeeze %dma_start3A_134 : memref<1x128x128xf32, #tpu.memory_space<vmem>> -> memref<128x128xf32, #tpu.memory_space<vmem>>
      tpu.enqueue_dma source(%dma_start3A_135 : memref<128x128xf32, #tpu.memory_space<vmem>>) target(%dma_start3A_131 : memref<128x128xf32, #tpu.memory_space<vmem_shared>>) target_semaphore(%run_scoped3A_123 : memref<!tpu.dma_semaphore, #tpu.memory_space<semaphore_mem>>)
      %dma_wait3A_136 = arith.constant 0 : i32
      %dma_wait3A_137 = arith.constant 0 : i32
      %dma_wait3A_138 = tpu.memref_slice %arg7[%run_scoped3A_15, %dma_wait3A_136, %dma_wait3A_137] : memref<2x128x128xf32, #tpu.memory_space<vmem>> -> memref<1x128x128xf32, #tpu.memory_space<vmem>>
      %dma_wait3A_139 = tpu.memref_squeeze %dma_wait3A_138 : memref<1x128x128xf32, #tpu.memory_space<vmem>> -> memref<128x128xf32, #tpu.memory_space<vmem>>
      %dma_wait3A_140 = arith.constant 0 : i32
      %dma_wait3A_141 = tpu.memref_slice %arg8[%add3A_14, %dma_wait3A_140] : memref<10240x128xf32, #tpu.memory_space<vmem_shared>> -> memref<128x128xf32, #tpu.memory_space<vmem_shared>>
      %dma_wait3A_142 = arith.constant 0 : i32
      %dma_wait3A_143 = tpu.memref_slice %arg8[%add3A_14, %dma_wait3A_142] : memref<10240x128xf32, #tpu.memory_space<vmem_shared>> -> memref<128x128xf32, #tpu.memory_space<vmem_shared>>
      %dma_wait3A_144 = arith.constant 0 : i32
      %dma_wait3A_145 = arith.constant 0 : i32
      %dma_wait3A_146 = tpu.memref_slice %arg7[%run_scoped3A_15, %dma_wait3A_144, %dma_wait3A_145] : memref<2x128x128xf32, #tpu.memory_space<vmem>> -> memref<1x128x128xf32, #tpu.memory_space<vmem>>
      %dma_wait3A_147 = tpu.memref_squeeze %dma_wait3A_146 : memref<1x128x128xf32, #tpu.memory_space<vmem>> -> memref<128x128xf32, #tpu.memory_space<vmem>>
      tpu.wait_dma2 semaphore(%run_scoped3A_123 : memref<!tpu.dma_semaphore, #tpu.memory_space<semaphore_mem>>) src(%dma_wait3A_147 : memref<128x128xf32, #tpu.memory_space<vmem>>) dst(%dma_wait3A_143 : memref<128x128xf32, #tpu.memory_space<vmem_shared>>)
      tpu.yield
    }) : () -> ()
    %mul3A_16 = arith.constant 640 : i32
    %mul3A_17 = arith.muli %arg1, %mul3A_16 : i32
    %add3A_18 = arith.constant 384 : i32
    %add3A_19 = arith.addi %mul3A_17, %add3A_18 : i32
    %run_scoped3A_20 = arith.constant 0 : i32
    "tpu.region"() ({
      %run_scoped3A_123 = tpu.sem_alloc : memref<!tpu.dma_semaphore, #tpu.memory_space<semaphore_mem>>
      %dma_start3A_124 = arith.constant 0 : i32
      %dma_start3A_125 = arith.constant 0 : i32
      %dma_start3A_126 = tpu.memref_slice %arg7[%run_scoped3A_20, %dma_start3A_124, %dma_start3A_125] : memref<2x128x128xf32, #tpu.memory_space<vmem>> -> memref<1x128x128xf32, #tpu.memory_space<vmem>>
      %dma_start3A_127 = tpu.memref_squeeze %dma_start3A_126 : memref<1x128x128xf32, #tpu.memory_space<vmem>> -> memref<128x128xf32, #tpu.memory_space<vmem>>
      %dma_start3A_128 = arith.constant 0 : i32
      %dma_start3A_129 = tpu.memref_slice %arg8[%add3A_19, %dma_start3A_128] : memref<10240x128xf32, #tpu.memory_space<vmem_shared>> -> memref<128x128xf32, #tpu.memory_space<vmem_shared>>
      %dma_start3A_130 = arith.constant 0 : i32
      %dma_start3A_131 = tpu.memref_slice %arg8[%add3A_19, %dma_start3A_130] : memref<10240x128xf32, #tpu.memory_space<vmem_shared>> -> memref<128x128xf32, #tpu.memory_space<vmem_shared>>
      %dma_start3A_132 = arith.constant 0 : i32
      %dma_start3A_133 = arith.constant 0 : i32
      %dma_start3A_134 = tpu.memref_slice %arg7[%run_scoped3A_20, %dma_start3A_132, %dma_start3A_133] : memref<2x128x128xf32, #tpu.memory_space<vmem>> -> memref<1x128x128xf32, #tpu.memory_space<vmem>>
      %dma_start3A_135 = tpu.memref_squeeze %dma_start3A_134 : memref<1x128x128xf32, #tpu.memory_space<vmem>> -> memref<128x128xf32, #tpu.memory_space<vmem>>
      tpu.enqueue_dma source(%dma_start3A_135 : memref<128x128xf32, #tpu.memory_space<vmem>>) target(%dma_start3A_131 : memref<128x128xf32, #tpu.memory_space<vmem_shared>>) target_semaphore(%run_scoped3A_123 : memref<!tpu.dma_semaphore, #tpu.memory_space<semaphore_mem>>)
      %dma_wait3A_136 = arith.constant 0 : i32
      %dma_wait3A_137 = arith.constant 0 : i32
      %dma_wait3A_138 = tpu.memref_slice %arg7[%run_scoped3A_20, %dma_wait3A_136, %dma_wait3A_137] : memref<2x128x128xf32, #tpu.memory_space<vmem>> -> memref<1x128x128xf32, #tpu.memory_space<vmem>>
      %dma_wait3A_139 = tpu.memref_squeeze %dma_wait3A_138 : memref<1x128x128xf32, #tpu.memory_space<vmem>> -> memref<128x128xf32, #tpu.memory_space<vmem>>
      %dma_wait3A_140 = arith.constant 0 : i32
      %dma_wait3A_141 = tpu.memref_slice %arg8[%add3A_19, %dma_wait3A_140] : memref<10240x128xf32, #tpu.memory_space<vmem_shared>> -> memref<128x128xf32, #tpu.memory_space<vmem_shared>>
      %dma_wait3A_142 = arith.constant 0 : i32
      %dma_wait3A_143 = tpu.memref_slice %arg8[%add3A_19, %dma_wait3A_142] : memref<10240x128xf32, #tpu.memory_space<vmem_shared>> -> memref<128x128xf32, #tpu.memory_space<vmem_shared>>
      %dma_wait3A_144 = arith.constant 0 : i32
      %dma_wait3A_145 = arith.constant 0 : i32
      %dma_wait3A_146 = tpu.memref_slice %arg7[%run_scoped3A_20, %dma_wait3A_144, %dma_wait3A_145] : memref<2x128x128xf32, #tpu.memory_space<vmem>> -> memref<1x128x128xf32, #tpu.memory_space<vmem>>
      %dma_wait3A_147 = tpu.memref_squeeze %dma_wait3A_146 : memref<1x128x128xf32, #tpu.memory_space<vmem>> -> memref<128x128xf32, #tpu.memory_space<vmem>>
      tpu.wait_dma2 semaphore(%run_scoped3A_123 : memref<!tpu.dma_semaphore, #tpu.memory_space<semaphore_mem>>) src(%dma_wait3A_147 : memref<128x128xf32, #tpu.memory_space<vmem>>) dst(%dma_wait3A_143 : memref<128x128xf32, #tpu.memory_space<vmem_shared>>)
      tpu.yield
    }) : () -> ()
    %mul3A_21 = arith.constant 640 : i32
    %mul3A_22 = arith.muli %arg1, %mul3A_21 : i32
    %add3A_23 = arith.constant 512 : i32
    %add3A_24 = arith.addi %mul3A_22, %add3A_23 : i32
    %run_scoped3A_25 = arith.constant 0 : i32
    "tpu.region"() ({
      %run_scoped3A_123 = tpu.sem_alloc : memref<!tpu.dma_semaphore, #tpu.memory_space<semaphore_mem>>
      %dma_start3A_124 = arith.constant 0 : i32
      %dma_start3A_125 = arith.constant 0 : i32
      %dma_start3A_126 = tpu.memref_slice %arg7[%run_scoped3A_25, %dma_start3A_124, %dma_start3A_125] : memref<2x128x128xf32, #tpu.memory_space<vmem>> -> memref<1x128x128xf32, #tpu.memory_space<vmem>>
      %dma_start3A_127 = tpu.memref_squeeze %dma_start3A_126 : memref<1x128x128xf32, #tpu.memory_space<vmem>> -> memref<128x128xf32, #tpu.memory_space<vmem>>
      %dma_start3A_128 = arith.constant 0 : i32
      %dma_start3A_129 = tpu.memref_slice %arg8[%add3A_24, %dma_start3A_128] : memref<10240x128xf32, #tpu.memory_space<vmem_shared>> -> memref<128x128xf32, #tpu.memory_space<vmem_shared>>
      %dma_start3A_130 = arith.constant 0 : i32
      %dma_start3A_131 = tpu.memref_slice %arg8[%add3A_24, %dma_start3A_130] : memref<10240x128xf32, #tpu.memory_space<vmem_shared>> -> memref<128x128xf32, #tpu.memory_space<vmem_shared>>
      %dma_start3A_132 = arith.constant 0 : i32
      %dma_start3A_133 = arith.constant 0 : i32
      %dma_start3A_134 = tpu.memref_slice %arg7[%run_scoped3A_25, %dma_start3A_132, %dma_start3A_133] : memref<2x128x128xf32, #tpu.memory_space<vmem>> -> memref<1x128x128xf32, #tpu.memory_space<vmem>>
      %dma_start3A_135 = tpu.memref_squeeze %dma_start3A_134 : memref<1x128x128xf32, #tpu.memory_space<vmem>> -> memref<128x128xf32, #tpu.memory_space<vmem>>
      tpu.enqueue_dma source(%dma_start3A_135 : memref<128x128xf32, #tpu.memory_space<vmem>>) target(%dma_start3A_131 : memref<128x128xf32, #tpu.memory_space<vmem_shared>>) target_semaphore(%run_scoped3A_123 : memref<!tpu.dma_semaphore, #tpu.memory_space<semaphore_mem>>)
      %dma_wait3A_136 = arith.constant 0 : i32
      %dma_wait3A_137 = arith.constant 0 : i32
      %dma_wait3A_138 = tpu.memref_slice %arg7[%run_scoped3A_25, %dma_wait3A_136, %dma_wait3A_137] : memref<2x128x128xf32, #tpu.memory_space<vmem>> -> memref<1x128x128xf32, #tpu.memory_space<vmem>>
      %dma_wait3A_139 = tpu.memref_squeeze %dma_wait3A_138 : memref<1x128x128xf32, #tpu.memory_space<vmem>> -> memref<128x128xf32, #tpu.memory_space<vmem>>
      %dma_wait3A_140 = arith.constant 0 : i32
      %dma_wait3A_141 = tpu.memref_slice %arg8[%add3A_24, %dma_wait3A_140] : memref<10240x128xf32, #tpu.memory_space<vmem_shared>> -> memref<128x128xf32, #tpu.memory_space<vmem_shared>>
      %dma_wait3A_142 = arith.constant 0 : i32
      %dma_wait3A_143 = tpu.memref_slice %arg8[%add3A_24, %dma_wait3A_142] : memref<10240x128xf32, #tpu.memory_space<vmem_shared>> -> memref<128x128xf32, #tpu.memory_space<vmem_shared>>
      %dma_wait3A_144 = arith.constant 0 : i32
      %dma_wait3A_145 = arith.constant 0 : i32
      %dma_wait3A_146 = tpu.memref_slice %arg7[%run_scoped3A_25, %dma_wait3A_144, %dma_wait3A_145] : memref<2x128x128xf32, #tpu.memory_space<vmem>> -> memref<1x128x128xf32, #tpu.memory_space<vmem>>
      %dma_wait3A_147 = tpu.memref_squeeze %dma_wait3A_146 : memref<1x128x128xf32, #tpu.memory_space<vmem>> -> memref<128x128xf32, #tpu.memory_space<vmem>>
      tpu.wait_dma2 semaphore(%run_scoped3A_123 : memref<!tpu.dma_semaphore, #tpu.memory_space<semaphore_mem>>) src(%dma_wait3A_147 : memref<128x128xf32, #tpu.memory_space<vmem>>) dst(%dma_wait3A_143 : memref<128x128xf32, #tpu.memory_space<vmem_shared>>)
      tpu.yield
    }) : () -> ()
    %scan3A = arith.constant 0 : i32
    %scan3A_26 = arith.constant 0 : i32
    %scan3A_27 = arith.constant 8 : i32
    %scan3A_28 = arith.addi %scan3A_26, %scan3A_27 : i32
    %scan3A_29 = arith.constant 1 : i32
    %scan3A_30 = scf.for %scan3A_123 = %scan3A_26 to %scan3A_28 step %scan3A_29 iter_args(%scan3A_124 = %scan3A) -> (i32)  : i32 {
      %broadcast_in_dim3A = arith.constant 1.000000e+00 : f32
      %broadcast_in_dim3A_125 = vector.broadcast %broadcast_in_dim3A : f32 to vector<16xf32>
      %mul3A_126 = arith.constant 16 : i32
      %mul3A_127 = arith.muli %scan3A_123, %mul3A_126 : i32
      %swap3A = arith.index_cast %mul3A_127 : i32 to index
      %swap3A_128 = tpu.vector_load %arg12[%swap3A] {strides = array<i32>} : memref<128xf32, #tpu.memory_space<vmem>>, vector<16xf32>,
      %swap3A_129 = vector.shape_cast %swap3A_128 : vector<16xf32> to vector<16xf32>
      %swap3A_130 = vector.shape_cast %broadcast_in_dim3A_125 : vector<16xf32> to vector<16xf32>
      tpu.vector_store %arg12[%swap3A], %swap3A_130 {strides = array<i32>} : memref<128xf32, #tpu.memory_space<vmem>>, vector<16xf32>,
      %scan3A_131 = arith.constant 0 : i32
      scf.yield %scan3A_131 : i32
    }
    %scan3A_31 = arith.constant 8 : i32
    %scan3A_32 = arith.constant 0 : i32
    %scan3A_33 = arith.constant 0 : i32
    %scan3A_34 = arith.constant 40 : i32
    %scan3A_35 = arith.addi %scan3A_33, %scan3A_34 : i32
    %scan3A_36 = arith.constant 1 : i32
    %scan3A_37 = scf.for %scan3A_123 = %scan3A_33 to %scan3A_35 step %scan3A_36 iter_args(%scan3A_124 = %scan3A_32) -> (i32)  : i32 {
      %broadcast_in_dim3A = arith.constant 0.000000e+00 : f32
      %broadcast_in_dim3A_125 = vector.broadcast %broadcast_in_dim3A : f32 to vector<16xf32>
      %mul3A_126 = arith.constant 16 : i32
      %mul3A_127 = arith.muli %scan3A_123, %mul3A_126 : i32
      %swap3A = arith.index_cast %mul3A_127 : i32 to index
      %swap3A_128 = tpu.vector_load %arg13[%swap3A] {strides = array<i32>} : memref<640xf32, #tpu.memory_space<vmem>>, vector<16xf32>,
      %swap3A_129 = vector.shape_cast %swap3A_128 : vector<16xf32> to vector<16xf32>
      %swap3A_130 = vector.shape_cast %broadcast_in_dim3A_125 : vector<16xf32> to vector<16xf32>
      tpu.vector_store %arg13[%swap3A], %swap3A_130 {strides = array<i32>} : memref<640xf32, #tpu.memory_space<vmem>>, vector<16xf32>,
      %scan3A_131 = arith.constant 0 : i32
      scf.yield %scan3A_131 : i32
    }
    %scan3A_38 = arith.constant 40 : i32
    %mul3A_39 = arith.constant 640 : i32
    %mul3A_40 = arith.muli %arg1, %mul3A_39 : i32
    "tpu.region"() ({
      %run_scoped3A_123 = tpu.sem_alloc : memref<!tpu.dma_semaphore, #tpu.memory_space<semaphore_mem>>
      %dma_start3A_124 = tpu.memref_slice %arg14[%mul3A_40] : memref<10240xf32, #tpu.memory_space<vmem_shared>> -> memref<640xf32, #tpu.memory_space<vmem_shared>>
      %dma_start3A_125 = tpu.memref_slice %arg14[%mul3A_40] : memref<10240xf32, #tpu.memory_space<vmem_shared>> -> memref<640xf32, #tpu.memory_space<vmem_shared>>
      tpu.enqueue_dma source(%arg13 : memref<640xf32, #tpu.memory_space<vmem>>) target(%dma_start3A_125 : memref<640xf32, #tpu.memory_space<vmem_shared>>) target_semaphore(%run_scoped3A_123 : memref<!tpu.dma_semaphore, #tpu.memory_space<semaphore_mem>>)
      %dma_wait3A_126 = tpu.memref_slice %arg14[%mul3A_40] : memref<10240xf32, #tpu.memory_space<vmem_shared>> -> memref<640xf32, #tpu.memory_space<vmem_shared>>
      %dma_wait3A_127 = tpu.memref_slice %arg14[%mul3A_40] : memref<10240xf32, #tpu.memory_space<vmem_shared>> -> memref<640xf32, #tpu.memory_space<vmem_shared>>
      tpu.wait_dma2 semaphore(%run_scoped3A_123 : memref<!tpu.dma_semaphore, #tpu.memory_space<semaphore_mem>>) src(%arg13 : memref<640xf32, #tpu.memory_space<vmem>>) dst(%dma_wait3A_127 : memref<640xf32, #tpu.memory_space<vmem_shared>>)
      tpu.yield
    }) : () -> ()
    %mul3A_41 = arith.constant 80 : i32
    %mul3A_42 = arith.muli %add3A, %mul3A_41 : i32
    %run_scoped3A_43 = arith.constant 0 : i32
    "tpu.region"() ({
      %run_scoped3A_123 = tpu.sem_alloc : memref<!tpu.dma_semaphore, #tpu.memory_space<semaphore_mem>>
      %dma_start3A_124 = arith.constant 0 : i32
      %dma_start3A_125 = arith.constant 0 : i32
      %dma_start3A_126 = tpu.memref_slice %arg6[%run_scoped3A_43, %dma_start3A_124, %dma_start3A_125] : memref<3x2x128xi32, #tpu.memory_space<vmem>> -> memref<1x2x128xi32, #tpu.memory_space<vmem>>
      %dma_start3A_127 = tpu.memref_squeeze %dma_start3A_126 : memref<1x2x128xi32, #tpu.memory_space<vmem>> -> memref<2x128xi32, #tpu.memory_space<vmem>>
      %dma_start3A_128 = arith.constant 0 : i32
      %dma_start3A_129 = arith.constant 0 : i32
      %dma_start3A_130 = tpu.memref_slice %arg3[%mul3A_42, %dma_start3A_128, %dma_start3A_129] : memref<2560x2x128xi32, #tpu.memory_space<hbm>> -> memref<1x2x128xi32, #tpu.memory_space<hbm>>
      %dma_start3A_131 = tpu.memref_squeeze %dma_start3A_130 : memref<1x2x128xi32, #tpu.memory_space<hbm>> -> memref<2x128xi32, #tpu.memory_space<hbm>>
      %dma_start3A_132 = arith.constant 0 : i32
      %dma_start3A_133 = arith.constant 0 : i32
      %dma_start3A_134 = tpu.memref_slice %arg6[%run_scoped3A_43, %dma_start3A_132, %dma_start3A_133] : memref<3x2x128xi32, #tpu.memory_space<vmem>> -> memref<1x2x128xi32, #tpu.memory_space<vmem>>
      %dma_start3A_135 = tpu.memref_squeeze %dma_start3A_134 : memref<1x2x128xi32, #tpu.memory_space<vmem>> -> memref<2x128xi32, #tpu.memory_space<vmem>>
      %dma_start3A_136 = arith.constant 0 : i32
      %dma_start3A_137 = arith.constant 0 : i32
      %dma_start3A_138 = tpu.memref_slice %arg3[%mul3A_42, %dma_start3A_136, %dma_start3A_137] : memref<2560x2x128xi32, #tpu.memory_space<hbm>> -> memref<1x2x128xi32, #tpu.memory_space<hbm>>
      %dma_start3A_139 = tpu.memref_squeeze %dma_start3A_138 : memref<1x2x128xi32, #tpu.memory_space<hbm>> -> memref<2x128xi32, #tpu.memory_space<hbm>>
      tpu.enqueue_dma source(%dma_start3A_139 : memref<2x128xi32, #tpu.memory_space<hbm>>) target(%dma_start3A_135 : memref<2x128xi32, #tpu.memory_space<vmem>>) target_semaphore(%run_scoped3A_123 : memref<!tpu.dma_semaphore, #tpu.memory_space<semaphore_mem>>)
      %dma_wait3A_140 = arith.constant 0 : i32
      %dma_wait3A_141 = arith.constant 0 : i32
      %dma_wait3A_142 = tpu.memref_slice %arg6[%run_scoped3A_43, %dma_wait3A_140, %dma_wait3A_141] : memref<3x2x128xi32, #tpu.memory_space<vmem>> -> memref<1x2x128xi32, #tpu.memory_space<vmem>>
      %dma_wait3A_143 = tpu.memref_squeeze %dma_wait3A_142 : memref<1x2x128xi32, #tpu.memory_space<vmem>> -> memref<2x128xi32, #tpu.memory_space<vmem>>
      %dma_wait3A_144 = arith.constant 0 : i32
      %dma_wait3A_145 = arith.constant 0 : i32
      %dma_wait3A_146 = tpu.memref_slice %arg3[%mul3A_42, %dma_wait3A_144, %dma_wait3A_145] : memref<2560x2x128xi32, #tpu.memory_space<hbm>> -> memref<1x2x128xi32, #tpu.memory_space<hbm>>
      %dma_wait3A_147 = tpu.memref_squeeze %dma_wait3A_146 : memref<1x2x128xi32, #tpu.memory_space<hbm>> -> memref<2x128xi32, #tpu.memory_space<hbm>>
      %dma_wait3A_148 = arith.constant 0 : i32
      %dma_wait3A_149 = arith.constant 0 : i32
      %dma_wait3A_150 = tpu.memref_slice %arg6[%run_scoped3A_43, %dma_wait3A_148, %dma_wait3A_149] : memref<3x2x128xi32, #tpu.memory_space<vmem>> -> memref<1x2x128xi32, #tpu.memory_space<vmem>>
      %dma_wait3A_151 = tpu.memref_squeeze %dma_wait3A_150 : memref<1x2x128xi32, #tpu.memory_space<vmem>> -> memref<2x128xi32, #tpu.memory_space<vmem>>
      %dma_wait3A_152 = arith.constant 0 : i32
      %dma_wait3A_153 = arith.constant 0 : i32
      %dma_wait3A_154 = tpu.memref_slice %arg3[%mul3A_42, %dma_wait3A_152, %dma_wait3A_153] : memref<2560x2x128xi32, #tpu.memory_space<hbm>> -> memref<1x2x128xi32, #tpu.memory_space<hbm>>
      %dma_wait3A_155 = tpu.memref_squeeze %dma_wait3A_154 : memref<1x2x128xi32, #tpu.memory_space<hbm>> -> memref<2x128xi32, #tpu.memory_space<hbm>>
      tpu.wait_dma2 semaphore(%run_scoped3A_123 : memref<!tpu.dma_semaphore, #tpu.memory_space<semaphore_mem>>) src(%dma_wait3A_155 : memref<2x128xi32, #tpu.memory_space<hbm>>) dst(%dma_wait3A_151 : memref<2x128xi32, #tpu.memory_space<vmem>>)
      tpu.yield
    }) : () -> ()
    %add3A_44 = arith.constant 1 : i32
    %add3A_45 = arith.addi %mul3A_42, %add3A_44 : i32
    %dma_start3A = arith.constant 1 : i32
    %dma_start3A_46 = arith.constant 0 : i32
    %dma_start3A_47 = arith.constant 0 : i32
    %dma_start3A_48 = tpu.memref_slice %arg6[%dma_start3A, %dma_start3A_46, %dma_start3A_47] : memref<3x2x128xi32, #tpu.memory_space<vmem>> -> memref<1x2x128xi32, #tpu.memory_space<vmem>>
    %dma_start3A_49 = tpu.memref_squeeze %dma_start3A_48 : memref<1x2x128xi32, #tpu.memory_space<vmem>> -> memref<2x128xi32, #tpu.memory_space<vmem>>
    %dma_start3A_50 = arith.constant 0 : i32
    %dma_start3A_51 = arith.constant 0 : i32
    %dma_start3A_52 = tpu.memref_slice %arg3[%add3A_45, %dma_start3A_50, %dma_start3A_51] : memref<2560x2x128xi32, #tpu.memory_space<hbm>> -> memref<1x2x128xi32, #tpu.memory_space<hbm>>
    %dma_start3A_53 = tpu.memref_squeeze %dma_start3A_52 : memref<1x2x128xi32, #tpu.memory_space<hbm>> -> memref<2x128xi32, #tpu.memory_space<hbm>>
    %dma_start3A_54 = arith.constant 0 : i32
    %dma_start3A_55 = arith.constant 0 : i32
    %dma_start3A_56 = tpu.memref_slice %arg6[%dma_start3A, %dma_start3A_54, %dma_start3A_55] : memref<3x2x128xi32, #tpu.memory_space<vmem>> -> memref<1x2x128xi32, #tpu.memory_space<vmem>>
    %dma_start3A_57 = tpu.memref_squeeze %dma_start3A_56 : memref<1x2x128xi32, #tpu.memory_space<vmem>> -> memref<2x128xi32, #tpu.memory_space<vmem>>
    %dma_start3A_58 = arith.constant 0 : i32
    %dma_start3A_59 = arith.constant 0 : i32
    %dma_start3A_60 = tpu.memref_slice %arg3[%add3A_45, %dma_start3A_58, %dma_start3A_59] : memref<2560x2x128xi32, #tpu.memory_space<hbm>> -> memref<1x2x128xi32, #tpu.memory_space<hbm>>
    %dma_start3A_61 = tpu.memref_squeeze %dma_start3A_60 : memref<1x2x128xi32, #tpu.memory_space<hbm>> -> memref<2x128xi32, #tpu.memory_space<hbm>>
    tpu.enqueue_dma source(%dma_start3A_61 : memref<2x128xi32, #tpu.memory_space<hbm>>) target(%dma_start3A_57 : memref<2x128xi32, #tpu.memory_space<vmem>>) target_semaphore(%arg10 : memref<!tpu.dma_semaphore, #tpu.memory_space<semaphore_mem>>)
    %dma_start3A_62 = arith.constant 0 : i32
    %dma_start3A_63 = arith.constant 0 : i32
    %dma_start3A_64 = arith.constant 0 : i32
    %dma_start3A_65 = arith.constant 0 : i32
    %dma_start3A_66 = arith.constant 0 : i32
    %dma_start3A_67 = tpu.memref_slice %arg7[%dma_start3A_64, %dma_start3A_65, %dma_start3A_66] : memref<2x128x128xf32, #tpu.memory_space<vmem>> -> memref<1x128x128xf32, #tpu.memory_space<vmem>>
    %dma_start3A_68 = tpu.memref_squeeze %dma_start3A_67 : memref<1x128x128xf32, #tpu.memory_space<vmem>> -> memref<128x128xf32, #tpu.memory_space<vmem>>
    %dma_start3A_69 = arith.constant 0 : i32
    %dma_start3A_70 = tpu.memref_slice %arg6[%dma_start3A_62, %dma_start3A_63, %dma_start3A_69] : memref<3x2x128xi32, #tpu.memory_space<vmem>> -> memref<1x1x128xi32, #tpu.memory_space<vmem>>
    %dma_start3A_71 = tpu.memref_squeeze %dma_start3A_70 : memref<1x1x128xi32, #tpu.memory_space<vmem>> -> memref<128xi32, #tpu.memory_space<vmem>>
    %dma_start3A_72 = arith.constant 0 : i32
    %dma_start3A_73 = arith.constant 0 : i32
    %dma_start3A_74 = tpu.memref_slice %arg2[%dma_start3A_72, %dma_start3A_73] : memref<10240x128xf32, #tpu.memory_space<hbm>> -> memref<10240x128xf32, #tpu.memory_space<hbm>>
    tpu.enqueue_indirect_dma source(%dma_start3A_74 : memref<10240x128xf32, #tpu.memory_space<hbm>>) target(%dma_start3A_68 : memref<128x128xf32, #tpu.memory_space<vmem>>) offsets(%dma_start3A_71 : memref<128xi32, #tpu.memory_space<vmem>>) semaphore(%arg9 : memref<!tpu.dma_semaphore, #tpu.memory_space<semaphore_mem>>)
    %barrier3A = arith.constant 0 : index
    tpu.barrier barrier_id(%barrier3A)
    %scan3A_75 = arith.constant 0 : i32
    %scan3A_76 = arith.constant 0 : i32
    %scan3A_77 = arith.constant 80 : i32
    %scan3A_78 = arith.addi %scan3A_76, %scan3A_77 : i32
    %scan3A_79 = arith.constant 1 : i32
    %scan3A_80 = scf.for %scan3A_123 = %scan3A_76 to %scan3A_78 step %scan3A_79 iter_args(%scan3A_124 = %scan3A_75) -> (i32)  : i32 {
      %rem3A = arith.constant 2 : i32
      %rem3A_125 = arith.remsi %scan3A_123, %rem3A : i32
      %add3A_126 = arith.constant 1 : i32
      %add3A_127 = arith.addi %scan3A_123, %add3A_126 : i32
      %rem3A_128 = arith.constant 2 : i32
      %rem3A_129 = arith.remsi %add3A_127, %rem3A_128 : i32
      %rem3A_130 = arith.constant 3 : i32
      %rem3A_131 = arith.remsi %scan3A_123, %rem3A_130 : i32
      %add3A_132 = arith.constant 1 : i32
      %add3A_133 = arith.addi %scan3A_123, %add3A_132 : i32
      %rem3A_134 = arith.constant 3 : i32
      %rem3A_135 = arith.remsi %add3A_133, %rem3A_134 : i32
      %add3A_136 = arith.constant 2 : i32
      %add3A_137 = arith.addi %scan3A_123, %add3A_136 : i32
      %rem3A_138 = arith.constant 3 : i32
      %rem3A_139 = arith.remsi %add3A_137, %rem3A_138 : i32
      %add3A_140 = arith.constant 1 : i32
      %add3A_141 = arith.addi %scan3A_123, %add3A_140 : i32
      %min3A = arith.constant 79 : i32
      %min3A_142 = arith.minsi %add3A_141, %min3A : i32
      %add3A_143 = arith.constant 2 : i32
      %add3A_144 = arith.addi %scan3A_123, %add3A_143 : i32
      %min3A_145 = arith.constant 79 : i32
      %min3A_146 = arith.minsi %add3A_144, %min3A_145 : i32
      %dma_wait3A_147 = arith.constant 0 : i32
      %dma_wait3A_148 = arith.constant 0 : i32
      %dma_wait3A_149 = arith.constant 0 : i32
      %dma_wait3A_150 = tpu.memref_slice %arg7[%rem3A_125, %dma_wait3A_148, %dma_wait3A_149] : memref<2x128x128xf32, #tpu.memory_space<vmem>> -> memref<1x128x128xf32, #tpu.memory_space<vmem>>
      %dma_wait3A_151 = tpu.memref_squeeze %dma_wait3A_150 : memref<1x128x128xf32, #tpu.memory_space<vmem>> -> memref<128x128xf32, #tpu.memory_space<vmem>>
      %dma_wait3A_152 = arith.constant 0 : i32
      %dma_wait3A_153 = tpu.memref_slice %arg6[%rem3A_131, %dma_wait3A_147, %dma_wait3A_152] : memref<3x2x128xi32, #tpu.memory_space<vmem>> -> memref<1x1x128xi32, #tpu.memory_space<vmem>>
      %dma_wait3A_154 = tpu.memref_squeeze %dma_wait3A_153 : memref<1x1x128xi32, #tpu.memory_space<vmem>> -> memref<128xi32, #tpu.memory_space<vmem>>
      %dma_wait3A_155 = arith.constant 0 : i32
      %dma_wait3A_156 = arith.constant 0 : i32
      %dma_wait3A_157 = tpu.memref_slice %arg2[%dma_wait3A_155, %dma_wait3A_156] : memref<10240x128xf32, #tpu.memory_space<hbm>> -> memref<10240x128xf32, #tpu.memory_space<hbm>>
      tpu.wait_indirect_dma semaphore(%arg9 : memref<!tpu.dma_semaphore, #tpu.memory_space<semaphore_mem>>) src(%dma_wait3A_157 : memref<10240x128xf32, #tpu.memory_space<hbm>>) dst(%dma_wait3A_151 : memref<128x128xf32, #tpu.memory_space<vmem>>)
      %add3A_158 = arith.addi %mul3A_42, %min3A_142 : i32
      %dma_wait3A_159 = arith.constant 0 : i32
      %dma_wait3A_160 = arith.constant 0 : i32
      %dma_wait3A_161 = tpu.memref_slice %arg6[%rem3A_135, %dma_wait3A_159, %dma_wait3A_160] : memref<3x2x128xi32, #tpu.memory_space<vmem>> -> memref<1x2x128xi32, #tpu.memory_space<vmem>>
      %dma_wait3A_162 = tpu.memref_squeeze %dma_wait3A_161 : memref<1x2x128xi32, #tpu.memory_space<vmem>> -> memref<2x128xi32, #tpu.memory_space<vmem>>
      %dma_wait3A_163 = arith.constant 0 : i32
      %dma_wait3A_164 = arith.constant 0 : i32
      %dma_wait3A_165 = tpu.memref_slice %arg3[%add3A_158, %dma_wait3A_163, %dma_wait3A_164] : memref<2560x2x128xi32, #tpu.memory_space<hbm>> -> memref<1x2x128xi32, #tpu.memory_space<hbm>>
      %dma_wait3A_166 = tpu.memref_squeeze %dma_wait3A_165 : memref<1x2x128xi32, #tpu.memory_space<hbm>> -> memref<2x128xi32, #tpu.memory_space<hbm>>
      %dma_wait3A_167 = arith.constant 0 : i32
      %dma_wait3A_168 = arith.constant 0 : i32
      %dma_wait3A_169 = tpu.memref_slice %arg6[%rem3A_135, %dma_wait3A_167, %dma_wait3A_168] : memref<3x2x128xi32, #tpu.memory_space<vmem>> -> memref<1x2x128xi32, #tpu.memory_space<vmem>>
      %dma_wait3A_170 = tpu.memref_squeeze %dma_wait3A_169 : memref<1x2x128xi32, #tpu.memory_space<vmem>> -> memref<2x128xi32, #tpu.memory_space<vmem>>
      %dma_wait3A_171 = arith.constant 0 : i32
      %dma_wait3A_172 = arith.constant 0 : i32
      %dma_wait3A_173 = tpu.memref_slice %arg3[%add3A_158, %dma_wait3A_171, %dma_wait3A_172] : memref<2560x2x128xi32, #tpu.memory_space<hbm>> -> memref<1x2x128xi32, #tpu.memory_space<hbm>>
      %dma_wait3A_174 = tpu.memref_squeeze %dma_wait3A_173 : memref<1x2x128xi32, #tpu.memory_space<hbm>> -> memref<2x128xi32, #tpu.memory_space<hbm>>
      tpu.wait_dma2 semaphore(%arg10 : memref<!tpu.dma_semaphore, #tpu.memory_space<semaphore_mem>>) src(%dma_wait3A_174 : memref<2x128xi32, #tpu.memory_space<hbm>>) dst(%dma_wait3A_170 : memref<2x128xi32, #tpu.memory_space<vmem>>)
      %dma_start3A_175 = arith.constant 0 : i32
      %dma_start3A_176 = arith.constant 0 : i32
      %dma_start3A_177 = arith.constant 0 : i32
      %dma_start3A_178 = tpu.memref_slice %arg7[%rem3A_129, %dma_start3A_176, %dma_start3A_177] : memref<2x128x128xf32, #tpu.memory_space<vmem>> -> memref<1x128x128xf32, #tpu.memory_space<vmem>>
      %dma_start3A_179 = tpu.memref_squeeze %dma_start3A_178 : memref<1x128x128xf32, #tpu.memory_space<vmem>> -> memref<128x128xf32, #tpu.memory_space<vmem>>
      %dma_start3A_180 = arith.constant 0 : i32
      %dma_start3A_181 = tpu.memref_slice %arg6[%rem3A_135, %dma_start3A_175, %dma_start3A_180] : memref<3x2x128xi32, #tpu.memory_space<vmem>> -> memref<1x1x128xi32, #tpu.memory_space<vmem>>
      %dma_start3A_182 = tpu.memref_squeeze %dma_start3A_181 : memref<1x1x128xi32, #tpu.memory_space<vmem>> -> memref<128xi32, #tpu.memory_space<vmem>>
      %dma_start3A_183 = arith.constant 0 : i32
      %dma_start3A_184 = arith.constant 0 : i32
      %dma_start3A_185 = tpu.memref_slice %arg2[%dma_start3A_183, %dma_start3A_184] : memref<10240x128xf32, #tpu.memory_space<hbm>> -> memref<10240x128xf32, #tpu.memory_space<hbm>>
      tpu.enqueue_indirect_dma source(%dma_start3A_185 : memref<10240x128xf32, #tpu.memory_space<hbm>>) target(%dma_start3A_179 : memref<128x128xf32, #tpu.memory_space<vmem>>) offsets(%dma_start3A_182 : memref<128xi32, #tpu.memory_space<vmem>>) semaphore(%arg9 : memref<!tpu.dma_semaphore, #tpu.memory_space<semaphore_mem>>)
      %add3A_186 = arith.addi %mul3A_42, %min3A_146 : i32
      %dma_start3A_187 = arith.constant 0 : i32
      %dma_start3A_188 = arith.constant 0 : i32
      %dma_start3A_189 = tpu.memref_slice %arg6[%rem3A_139, %dma_start3A_187, %dma_start3A_188] : memref<3x2x128xi32, #tpu.memory_space<vmem>> -> memref<1x2x128xi32, #tpu.memory_space<vmem>>
      %dma_start3A_190 = tpu.memref_squeeze %dma_start3A_189 : memref<1x2x128xi32, #tpu.memory_space<vmem>> -> memref<2x128xi32, #tpu.memory_space<vmem>>
      %dma_start3A_191 = arith.constant 0 : i32
      %dma_start3A_192 = arith.constant 0 : i32
      %dma_start3A_193 = tpu.memref_slice %arg3[%add3A_186, %dma_start3A_191, %dma_start3A_192] : memref<2560x2x128xi32, #tpu.memory_space<hbm>> -> memref<1x2x128xi32, #tpu.memory_space<hbm>>
      %dma_start3A_194 = tpu.memref_squeeze %dma_start3A_193 : memref<1x2x128xi32, #tpu.memory_space<hbm>> -> memref<2x128xi32, #tpu.memory_space<hbm>>
      %dma_start3A_195 = arith.constant 0 : i32
      %dma_start3A_196 = arith.constant 0 : i32
      %dma_start3A_197 = tpu.memref_slice %arg6[%rem3A_139, %dma_start3A_195, %dma_start3A_196] : memref<3x2x128xi32, #tpu.memory_space<vmem>> -> memref<1x2x128xi32, #tpu.memory_space<vmem>>
      %dma_start3A_198 = tpu.memref_squeeze %dma_start3A_197 : memref<1x2x128xi32, #tpu.memory_space<vmem>> -> memref<2x128xi32, #tpu.memory_space<vmem>>
      %dma_start3A_199 = arith.constant 0 : i32
      %dma_start3A_200 = arith.constant 0 : i32
      %dma_start3A_201 = tpu.memref_slice %arg3[%add3A_186, %dma_start3A_199, %dma_start3A_200] : memref<2560x2x128xi32, #tpu.memory_space<hbm>> -> memref<1x2x128xi32, #tpu.memory_space<hbm>>
      %dma_start3A_202 = tpu.memref_squeeze %dma_start3A_201 : memref<1x2x128xi32, #tpu.memory_space<hbm>> -> memref<2x128xi32, #tpu.memory_space<hbm>>
      tpu.enqueue_dma source(%dma_start3A_202 : memref<2x128xi32, #tpu.memory_space<hbm>>) target(%dma_start3A_198 : memref<2x128xi32, #tpu.memory_space<vmem>>) target_semaphore(%arg10 : memref<!tpu.dma_semaphore, #tpu.memory_space<semaphore_mem>>)
      %dma_start3A_203 = arith.constant 1 : i32
      %dma_start3A_204 = arith.constant 0 : i32
      %dma_start3A_205 = tpu.memref_slice %arg6[%rem3A_131, %dma_start3A_203, %dma_start3A_204] : memref<3x2x128xi32, #tpu.memory_space<vmem>> -> memref<1x1x128xi32, #tpu.memory_space<vmem>>
      %dma_start3A_206 = tpu.memref_squeeze %dma_start3A_205 : memref<1x1x128xi32, #tpu.memory_space<vmem>> -> memref<128xi32, #tpu.memory_space<vmem>>
      %dma_start3A_207 = arith.constant 0 : i32
      %dma_start3A_208 = tpu.memref_slice %arg14[%dma_start3A_207] : memref<10240xf32, #tpu.memory_space<vmem_shared>> -> memref<10240xf32, #tpu.memory_space<vmem_shared>>
      tpu.enqueue_indirect_dma source(%arg12 : memref<128xf32, #tpu.memory_space<vmem>>) target(%dma_start3A_208 : memref<10240xf32, #tpu.memory_space<vmem_shared>>) offsets(%dma_start3A_206 : memref<128xi32, #tpu.memory_space<vmem>>) semaphore(%arg11 : memref<!tpu.dma_semaphore, #tpu.memory_space<semaphore_mem>>) {add = true}
      %run_scoped3A_209 = arith.constant 1 : i32
      "tpu.region"() ({
        %run_scoped3A_217 = tpu.sem_alloc : memref<!tpu.dma_semaphore, #tpu.memory_space<semaphore_mem>>
        %dma_start3A_218 = arith.constant 0 : i32
        %dma_start3A_219 = arith.constant 0 : i32
        %dma_start3A_220 = tpu.memref_slice %arg7[%rem3A_125, %dma_start3A_218, %dma_start3A_219] : memref<2x128x128xf32, #tpu.memory_space<vmem>> -> memref<1x128x128xf32, #tpu.memory_space<vmem>>
        %dma_start3A_221 = tpu.memref_squeeze %dma_start3A_220 : memref<1x128x128xf32, #tpu.memory_space<vmem>> -> memref<128x128xf32, #tpu.memory_space<vmem>>
        %dma_start3A_222 = arith.constant 0 : i32
        %dma_start3A_223 = tpu.memref_slice %arg6[%rem3A_131, %run_scoped3A_209, %dma_start3A_222] : memref<3x2x128xi32, #tpu.memory_space<vmem>> -> memref<1x1x128xi32, #tpu.memory_space<vmem>>
        %dma_start3A_224 = tpu.memref_squeeze %dma_start3A_223 : memref<1x1x128xi32, #tpu.memory_space<vmem>> -> memref<128xi32, #tpu.memory_space<vmem>>
        %dma_start3A_225 = arith.constant 0 : i32
        %dma_start3A_226 = arith.constant 0 : i32
        %dma_start3A_227 = tpu.memref_slice %arg8[%dma_start3A_225, %dma_start3A_226] : memref<10240x128xf32, #tpu.memory_space<vmem_shared>> -> memref<10240x128xf32, #tpu.memory_space<vmem_shared>>
        tpu.enqueue_indirect_dma source(%dma_start3A_221 : memref<128x128xf32, #tpu.memory_space<vmem>>) target(%dma_start3A_227 : memref<10240x128xf32, #tpu.memory_space<vmem_shared>>) offsets(%dma_start3A_224 : memref<128xi32, #tpu.memory_space<vmem>>) semaphore(%run_scoped3A_217 : memref<!tpu.dma_semaphore, #tpu.memory_space<semaphore_mem>>) {add = true}
        %dma_wait3A_228 = arith.constant 0 : i32
        %dma_wait3A_229 = arith.constant 0 : i32
        %dma_wait3A_230 = tpu.memref_slice %arg7[%rem3A_125, %dma_wait3A_228, %dma_wait3A_229] : memref<2x128x128xf32, #tpu.memory_space<vmem>> -> memref<1x128x128xf32, #tpu.memory_space<vmem>>
        %dma_wait3A_231 = tpu.memref_squeeze %dma_wait3A_230 : memref<1x128x128xf32, #tpu.memory_space<vmem>> -> memref<128x128xf32, #tpu.memory_space<vmem>>
        %dma_wait3A_232 = arith.constant 0 : i32
        %dma_wait3A_233 = tpu.memref_slice %arg6[%rem3A_131, %run_scoped3A_209, %dma_wait3A_232] : memref<3x2x128xi32, #tpu.memory_space<vmem>> -> memref<1x1x128xi32, #tpu.memory_space<vmem>>
        %dma_wait3A_234 = tpu.memref_squeeze %dma_wait3A_233 : memref<1x1x128xi32, #tpu.memory_space<vmem>> -> memref<128xi32, #tpu.memory_space<vmem>>
        %dma_wait3A_235 = arith.constant 0 : i32
        %dma_wait3A_236 = arith.constant 0 : i32
        %dma_wait3A_237 = tpu.memref_slice %arg8[%dma_wait3A_235, %dma_wait3A_236] : memref<10240x128xf32, #tpu.memory_space<vmem_shared>> -> memref<10240x128xf32, #tpu.memory_space<vmem_shared>>
        tpu.wait_indirect_dma semaphore(%run_scoped3A_217 : memref<!tpu.dma_semaphore, #tpu.memory_space<semaphore_mem>>) src(%dma_wait3A_231 : memref<128x128xf32, #tpu.memory_space<vmem>>) dst(%dma_wait3A_237 : memref<10240x128xf32, #tpu.memory_space<vmem_shared>>)
        tpu.yield
      }) : () -> ()
      %dma_wait3A_210 = arith.constant 1 : i32
      %dma_wait3A_211 = arith.constant 0 : i32
      %dma_wait3A_212 = tpu.memref_slice %arg6[%rem3A_131, %dma_wait3A_210, %dma_wait3A_211] : memref<3x2x128xi32, #tpu.memory_space<vmem>> -> memref<1x1x128xi32, #tpu.memory_space<vmem>>
      %dma_wait3A_213 = tpu.memref_squeeze %dma_wait3A_212 : memref<1x1x128xi32, #tpu.memory_space<vmem>> -> memref<128xi32, #tpu.memory_space<vmem>>
      %dma_wait3A_214 = arith.constant 0 : i32
      %dma_wait3A_215 = tpu.memref_slice %arg14[%dma_wait3A_214] : memref<10240xf32, #tpu.memory_space<vmem_shared>> -> memref<10240xf32, #tpu.memory_space<vmem_shared>>
      tpu.wait_indirect_dma semaphore(%arg11 : memref<!tpu.dma_semaphore, #tpu.memory_space<semaphore_mem>>) src(%arg12 : memref<128xf32, #tpu.memory_space<vmem>>) dst(%dma_wait3A_215 : memref<10240xf32, #tpu.memory_space<vmem_shared>>)
      %scan3A_216 = arith.constant 0 : i32
      scf.yield %scan3A_216 : i32
    }
    %scan3A_81 = arith.constant 80 : i32
    %dma_wait3A = arith.constant 2 : i32
    %dma_wait3A_82 = arith.constant 0 : i32
    %dma_wait3A_83 = arith.constant 0 : i32
    %dma_wait3A_84 = arith.constant 0 : i32
    %dma_wait3A_85 = arith.constant 0 : i32
    %dma_wait3A_86 = tpu.memref_slice %arg7[%dma_wait3A_83, %dma_wait3A_84, %dma_wait3A_85] : memref<2x128x128xf32, #tpu.memory_space<vmem>> -> memref<1x128x128xf32, #tpu.memory_space<vmem>>
    %dma_wait3A_87 = tpu.memref_squeeze %dma_wait3A_86 : memref<1x128x128xf32, #tpu.memory_space<vmem>> -> memref<128x128xf32, #tpu.memory_space<vmem>>
    %dma_wait3A_88 = arith.constant 0 : i32
    %dma_wait3A_89 = tpu.memref_slice %arg6[%dma_wait3A, %dma_wait3A_82, %dma_wait3A_88] : memref<3x2x128xi32, #tpu.memory_space<vmem>> -> memref<1x1x128xi32, #tpu.memory_space<vmem>>
    %dma_wait3A_90 = tpu.memref_squeeze %dma_wait3A_89 : memref<1x1x128xi32, #tpu.memory_space<vmem>> -> memref<128xi32, #tpu.memory_space<vmem>>
    %dma_wait3A_91 = arith.constant 0 : i32
    %dma_wait3A_92 = arith.constant 0 : i32
    %dma_wait3A_93 = tpu.memref_slice %arg2[%dma_wait3A_91, %dma_wait3A_92] : memref<10240x128xf32, #tpu.memory_space<hbm>> -> memref<10240x128xf32, #tpu.memory_space<hbm>>
    tpu.wait_indirect_dma semaphore(%arg9 : memref<!tpu.dma_semaphore, #tpu.memory_space<semaphore_mem>>) src(%dma_wait3A_93 : memref<10240x128xf32, #tpu.memory_space<hbm>>) dst(%dma_wait3A_87 : memref<128x128xf32, #tpu.memory_space<vmem>>)
    %add3A_94 = arith.constant 80 : i32
    %add3A_95 = arith.addi %mul3A_42, %add3A_94 : i32
    %sub3A = arith.constant 1 : i32
    %sub3A_96 = arith.subi %add3A_95, %sub3A : i32
    %dma_wait3A_97 = arith.constant 0 : i32
    %dma_wait3A_98 = arith.constant 0 : i32
    %dma_wait3A_99 = arith.constant 0 : i32
    %dma_wait3A_100 = tpu.memref_slice %arg6[%dma_wait3A_97, %dma_wait3A_98, %dma_wait3A_99] : memref<3x2x128xi32, #tpu.memory_space<vmem>> -> memref<1x2x128xi32, #tpu.memory_space<vmem>>
    %dma_wait3A_101 = tpu.memref_squeeze %dma_wait3A_100 : memref<1x2x128xi32, #tpu.memory_space<vmem>> -> memref<2x128xi32, #tpu.memory_space<vmem>>
    %dma_wait3A_102 = arith.constant 0 : i32
    %dma_wait3A_103 = arith.constant 0 : i32
    %dma_wait3A_104 = tpu.memref_slice %arg3[%sub3A_96, %dma_wait3A_102, %dma_wait3A_103] : memref<2560x2x128xi32, #tpu.memory_space<hbm>> -> memref<1x2x128xi32, #tpu.memory_space<hbm>>
    %dma_wait3A_105 = tpu.memref_squeeze %dma_wait3A_104 : memref<1x2x128xi32, #tpu.memory_space<hbm>> -> memref<2x128xi32, #tpu.memory_space<hbm>>
    %dma_wait3A_106 = arith.constant 0 : i32
    %dma_wait3A_107 = arith.constant 0 : i32
    %dma_wait3A_108 = tpu.memref_slice %arg6[%dma_wait3A_97, %dma_wait3A_106, %dma_wait3A_107] : memref<3x2x128xi32, #tpu.memory_space<vmem>> -> memref<1x2x128xi32, #tpu.memory_space<vmem>>
    %dma_wait3A_109 = tpu.memref_squeeze %dma_wait3A_108 : memref<1x2x128xi32, #tpu.memory_space<vmem>> -> memref<2x128xi32, #tpu.memory_space<vmem>>
    %dma_wait3A_110 = arith.constant 0 : i32
    %dma_wait3A_111 = arith.constant 0 : i32
    %dma_wait3A_112 = tpu.memref_slice %arg3[%sub3A_96, %dma_wait3A_110, %dma_wait3A_111] : memref<2560x2x128xi32, #tpu.memory_space<hbm>> -> memref<1x2x128xi32, #tpu.memory_space<hbm>>
    %dma_wait3A_113 = tpu.memref_squeeze %dma_wait3A_112 : memref<1x2x128xi32, #tpu.memory_space<hbm>> -> memref<2x128xi32, #tpu.memory_space<hbm>>
    tpu.wait_dma2 semaphore(%arg10 : memref<!tpu.dma_semaphore, #tpu.memory_space<semaphore_mem>>) src(%dma_wait3A_113 : memref<2x128xi32, #tpu.memory_space<hbm>>) dst(%dma_wait3A_109 : memref<2x128xi32, #tpu.memory_space<vmem>>)
    %barrier3A_114 = arith.constant 0 : index
    tpu.barrier barrier_id(%barrier3A_114)
    %mul3A_115 = arith.constant 640 : i32
    %mul3A_116 = arith.muli %arg1, %mul3A_115 : i32
    %mul3A_117 = arith.constant 640 : i32
    %mul3A_118 = arith.muli %arg1, %mul3A_117 : i32
    "tpu.region"() ({
      %run_scoped3A_123 = tpu.sem_alloc : memref<!tpu.dma_semaphore, #tpu.memory_space<semaphore_mem>>
      %dma_start3A_124 = arith.constant 0 : i32
      %dma_start3A_125 = tpu.memref_slice %arg4[%arg0, %mul3A_118, %dma_start3A_124] : memref<2x10240x128xf32, #tpu.memory_space<hbm>> -> memref<1x640x128xf32, #tpu.memory_space<hbm>>
      %dma_start3A_126 = tpu.memref_squeeze %dma_start3A_125 : memref<1x640x128xf32, #tpu.memory_space<hbm>> -> memref<640x128xf32, #tpu.memory_space<hbm>>
      %dma_start3A_127 = arith.constant 0 : i32
      %dma_start3A_128 = tpu.memref_slice %arg8[%mul3A_116, %dma_start3A_127] : memref<10240x128xf32, #tpu.memory_space<vmem_shared>> -> memref<640x128xf32, #tpu.memory_space<vmem_shared>>
      tpu.enqueue_dma source(%dma_start3A_128 : memref<640x128xf32, #tpu.memory_space<vmem_shared>>) target(%dma_start3A_126 : memref<640x128xf32, #tpu.memory_space<hbm>>) target_semaphore(%run_scoped3A_123 : memref<!tpu.dma_semaphore, #tpu.memory_space<semaphore_mem>>)
      %dma_wait3A_129 = arith.constant 0 : i32
      %dma_wait3A_130 = tpu.memref_slice %arg4[%arg0, %mul3A_118, %dma_wait3A_129] : memref<2x10240x128xf32, #tpu.memory_space<hbm>> -> memref<1x640x128xf32, #tpu.memory_space<hbm>>
      %dma_wait3A_131 = tpu.memref_squeeze %dma_wait3A_130 : memref<1x640x128xf32, #tpu.memory_space<hbm>> -> memref<640x128xf32, #tpu.memory_space<hbm>>
      %dma_wait3A_132 = arith.constant 0 : i32
      %dma_wait3A_133 = tpu.memref_slice %arg8[%mul3A_116, %dma_wait3A_132] : memref<10240x128xf32, #tpu.memory_space<vmem_shared>> -> memref<640x128xf32, #tpu.memory_space<vmem_shared>>
      tpu.wait_dma2 semaphore(%run_scoped3A_123 : memref<!tpu.dma_semaphore, #tpu.memory_space<semaphore_mem>>) src(%dma_wait3A_133 : memref<640x128xf32, #tpu.memory_space<vmem_shared>>) dst(%dma_wait3A_131 : memref<640x128xf32, #tpu.memory_space<hbm>>)
      tpu.yield
    }) : () -> ()
    %mul3A_119 = arith.constant 640 : i32
    %mul3A_120 = arith.muli %arg1, %mul3A_119 : i32
    %mul3A_121 = arith.constant 640 : i32
    %mul3A_122 = arith.muli %arg1, %mul3A_121 : i32
    "tpu.region"() ({
      %run_scoped3A_123 = tpu.sem_alloc : memref<!tpu.dma_semaphore, #tpu.memory_space<semaphore_mem>>
      %dma_start3A_124 = tpu.memref_slice %arg5[%arg0, %mul3A_122] : memref<2x10240xf32, #tpu.memory_space<hbm>> -> memref<1x640xf32, #tpu.memory_space<hbm>>
      %dma_start3A_125 = tpu.memref_squeeze %dma_start3A_124 : memref<1x640xf32, #tpu.memory_space<hbm>> -> memref<640xf32, #tpu.memory_space<hbm>>
      %dma_start3A_126 = tpu.memref_slice %arg14[%mul3A_120] : memref<10240xf32, #tpu.memory_space<vmem_shared>> -> memref<640xf32, #tpu.memory_space<vmem_shared>>
      tpu.enqueue_dma source(%dma_start3A_126 : memref<640xf32, #tpu.memory_space<vmem_shared>>) target(%dma_start3A_125 : memref<640xf32, #tpu.memory_space<hbm>>) target_semaphore(%run_scoped3A_123 : memref<!tpu.dma_semaphore, #tpu.memory_space<semaphore_mem>>)
      %dma_wait3A_127 = tpu.memref_slice %arg5[%arg0, %mul3A_122] : memref<2x10240xf32, #tpu.memory_space<hbm>> -> memref<1x640xf32, #tpu.memory_space<hbm>>
      %dma_wait3A_128 = tpu.memref_squeeze %dma_wait3A_127 : memref<1x640xf32, #tpu.memory_space<hbm>> -> memref<640xf32, #tpu.memory_space<hbm>>
      %dma_wait3A_129 = tpu.memref_slice %arg14[%mul3A_120] : memref<10240xf32, #tpu.memory_space<vmem_shared>> -> memref<640xf32, #tpu.memory_space<vmem_shared>>
      tpu.wait_dma2 semaphore(%run_scoped3A_123 : memref<!tpu.dma_semaphore, #tpu.memory_space<semaphore_mem>>) src(%dma_wait3A_129 : memref<640xf32, #tpu.memory_space<vmem_shared>>) dst(%dma_wait3A_128 : memref<640xf32, #tpu.memory_space<hbm>>)
      tpu.yield
    }) : () -> ()
    return
  }
}

module attributes {stable_mosaic.version = 14 : i64} {
  func.func @body(%arg0: i32, %arg1: memref<2x2048x128xf32, #tpu.memory_space<vmem>>, %arg2: memref<2x1x1024xf32, #tpu.memory_space<vmem>>, %arg3: memref<2048x128xf32, #tpu.memory_space<vmem>>, %arg4: memref<2048x128xf32, #tpu.memory_space<vmem>>) attributes {dimension_semantics = [#tpu.dimension_semantics<arbitrary>], iteration_bounds = array<i64: 5>, scalar_prefetch = 0 : i64, scratch_operands = 0 : i64, tpu.core_type = #tpu.core_type<tc>, window_params = [{transform_indices = @transform_0, window_bounds = array<i64: 2, 2048, 128>}, {transform_indices = @transform_1, window_bounds = array<i64: 2, 1, 1024>}, {transform_indices = @transform_2, window_bounds = array<i64: 2048, 128>}, {transform_indices = @transform_3, window_bounds = array<i64: 2048, 128>}]} {
    %get3A = arith.constant 0 : index
    %get3A_0 = arith.constant 0 : index
    %get3A_1 = arith.constant 0 : index
    %get3A_2 = vector.load %arg2[%get3A, %get3A_0, %get3A_1] : memref<2x1x1024xf32, #tpu.memory_space<vmem>>, vector<2x1x1024xf32>
    %get3A_3 = vector.shape_cast %get3A_2 : vector<2x1x1024xf32> to vector<2x1024xf32>
    %get3A_4 = arith.constant 0 : index
    %get3A_5 = arith.constant 0 : index
    %get3A_6 = arith.constant 0 : index
    %get3A_7 = vector.load %arg1[%get3A_4, %get3A_5, %get3A_6] : memref<2x2048x128xf32, #tpu.memory_space<vmem>>, vector<1x2048x128xf32>
    %get3A_8 = vector.shape_cast %get3A_7 : vector<1x2048x128xf32> to vector<2048x128xf32>
    %get3A_9 = arith.constant 1 : index
    %get3A_10 = arith.constant 0 : index
    %get3A_11 = arith.constant 0 : index
    %get3A_12 = vector.load %arg1[%get3A_9, %get3A_10, %get3A_11] : memref<2x2048x128xf32, #tpu.memory_space<vmem>>, vector<1x2048x128xf32>
    %get3A_13 = vector.shape_cast %get3A_12 : vector<1x2048x128xf32> to vector<2048x128xf32>
    %add3A = arith.addf %get3A_8, %get3A_13 : vector<2048x128xf32>
    %reshape3A = vector.shape_cast %add3A : vector<2048x128xf32> to vector<2x1024x128xf32>
    %get3A_14 = arith.constant 0 : index
    %get3A_15 = arith.constant 0 : index
    %get3A_16 = vector.load %arg3[%get3A_14, %get3A_15] : memref<2048x128xf32, #tpu.memory_space<vmem>>, vector<2048x128xf32>
    %reshape3A_17 = vector.shape_cast %get3A_16 : vector<2048x128xf32> to vector<2x1024x128xf32>
    %broadcast_in_dim3A = vector.shape_cast %get3A_3 : vector<2x1024xf32> to vector<2x1024x1xf32>
    %mul3A = vector.broadcast %broadcast_in_dim3A : vector<2x1024x1xf32> to vector<2x1024x128xf32>
    %mul3A_18 = arith.mulf %reshape3A, %mul3A : vector<2x1024x128xf32>
    %add3A_19 = arith.addf %mul3A_18, %reshape3A_17 : vector<2x1024x128xf32>
    %reshape3A_20 = vector.shape_cast %add3A_19 : vector<2x1024x128xf32> to vector<2048x128xf32>
    %swap3A = arith.constant 0 : index
    %swap3A_21 = arith.constant 0 : index
    %swap3A_22 = vector.load %arg4[%swap3A, %swap3A_21] : memref<2048x128xf32, #tpu.memory_space<vmem>>, vector<2048x128xf32>
    tpu.vector_store %arg4[%swap3A, %swap3A_21], %reshape3A_20 {strides = array<i32>} : memref<2048x128xf32, #tpu.memory_space<vmem>>, vector<2048x128xf32>,
    return
  }
  func.func @transform_0(%arg0: i32) -> (i32, i32, i32) {
    %c0_i32 = arith.constant 0 : i32
    %c0_i32_0 = arith.constant 0 : i32
    %c0_i32_1 = arith.constant 0 : i32
    return %c0_i32, %arg0, %c0_i32_0 : i32, i32, i32
  }
  func.func @transform_1(%arg0: i32) -> (i32, i32, i32) {
    %c0_i32 = arith.constant 0 : i32
    %c0_i32_0 = arith.constant 0 : i32
    %c0_i32_1 = arith.constant 0 : i32
    return %arg0, %c0_i32, %c0_i32_0 : i32, i32, i32
  }
  func.func @transform_2(%arg0: i32) -> (i32, i32) {
    %c0_i32 = arith.constant 0 : i32
    %c0_i32_0 = arith.constant 0 : i32
    return %arg0, %c0_i32 : i32, i32
  }
  func.func @transform_3(%arg0: i32) -> (i32, i32) {
    %c0_i32 = arith.constant 0 : i32
    %c0_i32_0 = arith.constant 0 : i32
    return %arg0, %c0_i32 : i32, i32
  }
}

module attributes {stable_mosaic.version = 14 : i64} {
  func.func @body(%arg0: i32, %arg1: memref<2x1024x128xf32, #tpu.memory_space<vmem>>, %arg2: memref<1x2x1024xf32, #tpu.memory_space<vmem>>, %arg3: memref<1024x128xf32, #tpu.memory_space<vmem>>, %arg4: memref<128x256xf32, #tpu.memory_space<vmem>>, %arg5: memref<128x256xf32, #tpu.memory_space<vmem>>, %arg6: memref<1x256xf32, #tpu.memory_space<vmem>>, %arg7: memref<1x256xf32, #tpu.memory_space<vmem>>, %arg8: memref<1x256xf32, #tpu.memory_space<vmem>>, %arg9: memref<256x128xf32, #tpu.memory_space<vmem>>, %arg10: memref<256x128xf32, #tpu.memory_space<vmem>>, %arg11: memref<1x128xf32, #tpu.memory_space<vmem>>, %arg12: memref<1024x128xf32, #tpu.memory_space<vmem>>, %arg13: memref<1024x128xf32, #tpu.memory_space<vmem>>, %arg14: memref<1x1x1024xf32, #tpu.memory_space<vmem>>) attributes {dimension_semantics = [#tpu.dimension_semantics<arbitrary>], iteration_bounds = array<i64: 10>, scalar_prefetch = 0 : i64, scratch_operands = 0 : i64, tpu.core_type = #tpu.core_type<tc>, window_params = [{transform_indices = @transform_0, window_bounds = array<i64: 2, 1024, 128>}, {transform_indices = @transform_1, window_bounds = array<i64: 1, 2, 1024>}, {transform_indices = @transform_2, window_bounds = array<i64: 1024, 128>}, {pipeline_mode = #tpu.pipeline_mode<synchronous>, transform_indices = @transform_3, window_bounds = array<i64: 128, 256>}, {pipeline_mode = #tpu.pipeline_mode<synchronous>, transform_indices = @transform_4, window_bounds = array<i64: 128, 256>}, {pipeline_mode = #tpu.pipeline_mode<synchronous>, transform_indices = @transform_5, window_bounds = array<i64: 1, 256>}, {pipeline_mode = #tpu.pipeline_mode<synchronous>, transform_indices = @transform_6, window_bounds = array<i64: 1, 256>}, {pipeline_mode = #tpu.pipeline_mode<synchronous>, transform_indices = @transform_7, window_bounds = array<i64: 1, 256>}, {pipeline_mode = #tpu.pipeline_mode<synchronous>, transform_indices = @transform_8, window_bounds = array<i64: 256, 128>}, {pipeline_mode = #tpu.pipeline_mode<synchronous>, transform_indices = @transform_9, window_bounds = array<i64: 256, 128>}, {pipeline_mode = #tpu.pipeline_mode<synchronous>, transform_indices = @transform_10, window_bounds = array<i64: 1, 128>}, {transform_indices = @transform_11, window_bounds = array<i64: 1024, 128>}, {transform_indices = @transform_12, window_bounds = array<i64: 1024, 128>}, {transform_indices = @transform_13, window_bounds = array<i64: 1, 1, 1024>}]} {
    %get3A = arith.constant 0 : index
    %get3A_0 = arith.constant 0 : index
    %get3A_1 = arith.constant 0 : index
    %get3A_2 = vector.load %arg2[%get3A, %get3A_0, %get3A_1] : memref<1x2x1024xf32, #tpu.memory_space<vmem>>, vector<1x1x1024xf32>
    %get3A_3 = vector.shape_cast %get3A_2 : vector<1x1x1024xf32> to vector<1024xf32>
    %get3A_4 = arith.constant 0 : index
    %get3A_5 = arith.constant 1 : index
    %get3A_6 = arith.constant 0 : index
    %get3A_7 = vector.load %arg2[%get3A_4, %get3A_5, %get3A_6] : memref<1x2x1024xf32, #tpu.memory_space<vmem>>, vector<1x1x1024xf32>
    %get3A_8 = vector.shape_cast %get3A_7 : vector<1x1x1024xf32> to vector<1024xf32>
    %add3A = arith.addf %get3A_3, %get3A_8 : vector<1024xf32>
    %max3A = arith.constant 1.000000e+00 : f32
    %max3A_9 = vector.broadcast %max3A : f32 to vector<1024xf32>
    %max3A_10 = arith.maximumf %add3A, %max3A_9 : vector<1024xf32>
    %div3A = arith.constant 1.000000e+00 : f32
    %div3A_11 = vector.broadcast %div3A : f32 to vector<1024xf32>
    %div3A_12 = arith.divf %div3A_11, %max3A_10 : vector<1024xf32>
    %reshape3A = vector.shape_cast %div3A_12 : vector<1024xf32> to vector<1x1x1024xf32>
    %swap3A = arith.constant 0 : index
    %swap3A_13 = arith.constant 0 : index
    %swap3A_14 = arith.constant 0 : index
    %swap3A_15 = vector.load %arg14[%swap3A, %swap3A_13, %swap3A_14] : memref<1x1x1024xf32, #tpu.memory_space<vmem>>, vector<1x1x1024xf32>
    tpu.vector_store %arg14[%swap3A, %swap3A_13, %swap3A_14], %reshape3A {strides = array<i32>} : memref<1x1x1024xf32, #tpu.memory_space<vmem>>, vector<1x1x1024xf32>,
    %get3A_16 = arith.constant 0 : index
    %get3A_17 = arith.constant 0 : index
    %get3A_18 = arith.constant 0 : index
    %get3A_19 = vector.load %arg1[%get3A_16, %get3A_17, %get3A_18] : memref<2x1024x128xf32, #tpu.memory_space<vmem>>, vector<1x1024x128xf32>
    %get3A_20 = vector.shape_cast %get3A_19 : vector<1x1024x128xf32> to vector<1024x128xf32>
    %get3A_21 = arith.constant 1 : index
    %get3A_22 = arith.constant 0 : index
    %get3A_23 = arith.constant 0 : index
    %get3A_24 = vector.load %arg1[%get3A_21, %get3A_22, %get3A_23] : memref<2x1024x128xf32, #tpu.memory_space<vmem>>, vector<1x1024x128xf32>
    %get3A_25 = vector.shape_cast %get3A_24 : vector<1x1024x128xf32> to vector<1024x128xf32>
    %add3A_26 = arith.addf %get3A_20, %get3A_25 : vector<1024x128xf32>
    %broadcast_in_dim3A = vector.shape_cast %div3A_12 : vector<1024xf32> to vector<1024x1xf32>
    %mul3A = vector.broadcast %broadcast_in_dim3A : vector<1024x1xf32> to vector<1024x128xf32>
    %mul3A_27 = arith.mulf %add3A_26, %mul3A : vector<1024x128xf32>
    %get3A_28 = arith.constant 0 : index
    %get3A_29 = arith.constant 0 : index
    %get3A_30 = vector.load %arg4[%get3A_28, %get3A_29] : memref<128x256xf32, #tpu.memory_space<vmem>>, vector<128x256xf32>
    %dot_general3A = arith.constant dense<0.000000e+00> : vector<1024x256xf32>
    %dot_general3A_31 = tpu.matmul %mul3A_27, %get3A_30, %dot_general3A {dimension_numbers = #tpu.dot_dimension_numbers<[1], [0], [0], [1], [0, 0, 1, 1], [], []>, transpose_lhs_hint = false} : vector<1024x128xf32>, vector<128x256xf32>, vector<1024x256xf32> -> vector<1024x256xf32>
    %get3A_32 = arith.constant 0 : index
    %get3A_33 = arith.constant 0 : index
    %get3A_34 = vector.load %arg3[%get3A_32, %get3A_33] : memref<1024x128xf32, #tpu.memory_space<vmem>>, vector<1024x128xf32>
    %get3A_35 = arith.constant 0 : index
    %get3A_36 = arith.constant 0 : index
    %get3A_37 = vector.load %arg5[%get3A_35, %get3A_36] : memref<128x256xf32, #tpu.memory_space<vmem>>, vector<128x256xf32>
    %dot_general3A_38 = arith.constant dense<0.000000e+00> : vector<1024x256xf32>
    %dot_general3A_39 = tpu.matmul %get3A_34, %get3A_37, %dot_general3A_38 {dimension_numbers = #tpu.dot_dimension_numbers<[1], [0], [0], [1], [0, 0, 1, 1], [], []>, transpose_lhs_hint = false} : vector<1024x128xf32>, vector<128x256xf32>, vector<1024x256xf32> -> vector<1024x256xf32>
    %add3A_40 = arith.addf %dot_general3A_31, %dot_general3A_39 : vector<1024x256xf32>
    %get3A_41 = arith.constant 0 : index
    %get3A_42 = arith.constant 0 : index
    %get3A_43 = vector.load %arg6[%get3A_41, %get3A_42] : memref<1x256xf32, #tpu.memory_space<vmem>>, vector<1x256xf32>
    %add3A_44 = vector.broadcast %get3A_43 : vector<1x256xf32> to vector<1024x256xf32>
    %add3A_45 = arith.addf %add3A_40, %add3A_44 : vector<1024x256xf32>
    %get3A_46 = arith.constant 0 : index
    %get3A_47 = arith.constant 0 : index
    %get3A_48 = vector.load %arg7[%get3A_46, %get3A_47] : memref<1x256xf32, #tpu.memory_space<vmem>>, vector<1x256xf32>
    %mul3A_49 = vector.broadcast %get3A_48 : vector<1x256xf32> to vector<1024x256xf32>
    %mul3A_50 = arith.mulf %add3A_45, %mul3A_49 : vector<1024x256xf32>
    %get3A_51 = arith.constant 0 : index
    %get3A_52 = arith.constant 0 : index
    %get3A_53 = vector.load %arg8[%get3A_51, %get3A_52] : memref<1x256xf32, #tpu.memory_space<vmem>>, vector<1x256xf32>
    %add3A_54 = vector.broadcast %get3A_53 : vector<1x256xf32> to vector<1024x256xf32>
    %add3A_55 = arith.addf %mul3A_50, %add3A_54 : vector<1024x256xf32>
    %max3A_56 = arith.constant 0.000000e+00 : f32
    %max3A_57 = vector.broadcast %max3A_56 : f32 to vector<1024x256xf32>
    %max3A_58 = arith.maximumf %add3A_55, %max3A_57 : vector<1024x256xf32>
    %mul3A_59 = arith.constant 1024 : i32
    %mul3A_60 = arith.muli %arg0, %mul3A_59 : i32
    %iota3A = tpu.iota {dimensions = array<i32: 0>} : vector<1024x128xi32>
    %add3A_61 = vector.broadcast %mul3A_60 : i32 to vector<1024x128xi32>
    %add3A_62 = arith.addi %add3A_61, %iota3A : vector<1024x128xi32>
    %get3A_63 = arith.constant 0 : index
    %get3A_64 = arith.constant 0 : index
    %get3A_65 = vector.load %arg9[%get3A_63, %get3A_64] : memref<256x128xf32, #tpu.memory_space<vmem>>, vector<256x128xf32>
    %dot_general3A_66 = arith.constant dense<0.000000e+00> : vector<1024x128xf32>
    %dot_general3A_67 = tpu.matmul %max3A_58, %get3A_65, %dot_general3A_66 {dimension_numbers = #tpu.dot_dimension_numbers<[1], [0], [0], [1], [0, 0, 1, 1], [], []>, transpose_lhs_hint = false} : vector<1024x256xf32>, vector<256x128xf32>, vector<1024x128xf32> -> vector<1024x128xf32>
    %lt3A = arith.constant 10000 : i32
    %lt3A_68 = vector.broadcast %lt3A : i32 to vector<1024x128xi32>
    %lt3A_69 = arith.cmpi slt, %add3A_62, %lt3A_68 : vector<1024x128xi32>
    %jit3A = arith.constant 0.000000e+00 : f32
    %broadcast_in_dim3A_70 = vector.broadcast %jit3A : f32 to vector<1024x128xf32>
    %select_n3A = arith.select %lt3A_69, %dot_general3A_67, %broadcast_in_dim3A_70 : vector<1024x128xi1>, vector<1024x128xf32>
    %swap3A_71 = arith.constant 0 : index
    %swap3A_72 = arith.constant 0 : index
    %swap3A_73 = vector.load %arg12[%swap3A_71, %swap3A_72] : memref<1024x128xf32, #tpu.memory_space<vmem>>, vector<1024x128xf32>
    tpu.vector_store %arg12[%swap3A_71, %swap3A_72], %select_n3A {strides = array<i32>} : memref<1024x128xf32, #tpu.memory_space<vmem>>, vector<1024x128xf32>,
    %get3A_74 = arith.constant 0 : index
    %get3A_75 = arith.constant 0 : index
    %get3A_76 = vector.load %arg10[%get3A_74, %get3A_75] : memref<256x128xf32, #tpu.memory_space<vmem>>, vector<256x128xf32>
    %dot_general3A_77 = arith.constant dense<0.000000e+00> : vector<1024x128xf32>
    %dot_general3A_78 = tpu.matmul %max3A_58, %get3A_76, %dot_general3A_77 {dimension_numbers = #tpu.dot_dimension_numbers<[1], [0], [0], [1], [0, 0, 1, 1], [], []>, transpose_lhs_hint = false} : vector<1024x256xf32>, vector<256x128xf32>, vector<1024x128xf32> -> vector<1024x128xf32>
    %get3A_79 = arith.constant 0 : index
    %get3A_80 = arith.constant 0 : index
    %get3A_81 = vector.load %arg11[%get3A_79, %get3A_80] : memref<1x128xf32, #tpu.memory_space<vmem>>, vector<1x128xf32>
    %add3A_82 = vector.broadcast %get3A_81 : vector<1x128xf32> to vector<1024x128xf32>
    %add3A_83 = arith.addf %dot_general3A_78, %add3A_82 : vector<1024x128xf32>
    %swap3A_84 = arith.constant 0 : index
    %swap3A_85 = arith.constant 0 : index
    %swap3A_86 = vector.load %arg13[%swap3A_84, %swap3A_85] : memref<1024x128xf32, #tpu.memory_space<vmem>>, vector<1024x128xf32>
    tpu.vector_store %arg13[%swap3A_84, %swap3A_85], %add3A_83 {strides = array<i32>} : memref<1024x128xf32, #tpu.memory_space<vmem>>, vector<1024x128xf32>,
    return
  }
  func.func @transform_0(%arg0: i32) -> (i32, i32, i32) {
    %c0_i32 = arith.constant 0 : i32
    %c0_i32_0 = arith.constant 0 : i32
    %c0_i32_1 = arith.constant 0 : i32
    return %c0_i32, %arg0, %c0_i32_0 : i32, i32, i32
  }
  func.func @transform_1(%arg0: i32) -> (i32, i32, i32) {
    %c0_i32 = arith.constant 0 : i32
    %c0_i32_0 = arith.constant 0 : i32
    %c0_i32_1 = arith.constant 0 : i32
    return %arg0, %c0_i32, %c0_i32_0 : i32, i32, i32
  }
  func.func @transform_2(%arg0: i32) -> (i32, i32) {
    %c0_i32 = arith.constant 0 : i32
    %c0_i32_0 = arith.constant 0 : i32
    return %arg0, %c0_i32 : i32, i32
  }
  func.func @transform_3(%arg0: i32) -> (i32, i32) {
    %c0_i32 = arith.constant 0 : i32
    %c0_i32_0 = arith.constant 0 : i32
    %c0_i32_1 = arith.constant 0 : i32
    return %c0_i32, %c0_i32_0 : i32, i32
  }
  func.func @transform_4(%arg0: i32) -> (i32, i32) {
    %c0_i32 = arith.constant 0 : i32
    %c0_i32_0 = arith.constant 0 : i32
    %c0_i32_1 = arith.constant 0 : i32
    return %c0_i32, %c0_i32_0 : i32, i32
  }
  func.func @transform_5(%arg0: i32) -> (i32, i32) {
    %c0_i32 = arith.constant 0 : i32
    %c0_i32_0 = arith.constant 0 : i32
    %c0_i32_1 = arith.constant 0 : i32
    return %c0_i32, %c0_i32_0 : i32, i32
  }
  func.func @transform_6(%arg0: i32) -> (i32, i32) {
    %c0_i32 = arith.constant 0 : i32
    %c0_i32_0 = arith.constant 0 : i32
    %c0_i32_1 = arith.constant 0 : i32
    return %c0_i32, %c0_i32_0 : i32, i32
  }
  func.func @transform_7(%arg0: i32) -> (i32, i32) {
    %c0_i32 = arith.constant 0 : i32
    %c0_i32_0 = arith.constant 0 : i32
    %c0_i32_1 = arith.constant 0 : i32
    return %c0_i32, %c0_i32_0 : i32, i32
  }
  func.func @transform_8(%arg0: i32) -> (i32, i32) {
    %c0_i32 = arith.constant 0 : i32
    %c0_i32_0 = arith.constant 0 : i32
    %c0_i32_1 = arith.constant 0 : i32
    return %c0_i32, %c0_i32_0 : i32, i32
  }
  func.func @transform_9(%arg0: i32) -> (i32, i32) {
    %c0_i32 = arith.constant 0 : i32
    %c0_i32_0 = arith.constant 0 : i32
    %c0_i32_1 = arith.constant 0 : i32
    return %c0_i32, %c0_i32_0 : i32, i32
  }
  func.func @transform_10(%arg0: i32) -> (i32, i32) {
    %c0_i32 = arith.constant 0 : i32
    %c0_i32_0 = arith.constant 0 : i32
    %c0_i32_1 = arith.constant 0 : i32
    return %c0_i32, %c0_i32_0 : i32, i32
  }
  func.func @transform_11(%arg0: i32) -> (i32, i32) {
    %c0_i32 = arith.constant 0 : i32
    %c0_i32_0 = arith.constant 0 : i32
    return %arg0, %c0_i32 : i32, i32
  }
  func.func @transform_12(%arg0: i32) -> (i32, i32) {
    %c0_i32 = arith.constant 0 : i32
    %c0_i32_0 = arith.constant 0 : i32
    return %arg0, %c0_i32 : i32, i32
  }
  func.func @transform_13(%arg0: i32) -> (i32, i32, i32) {
    %c0_i32 = arith.constant 0 : i32
    %c0_i32_0 = arith.constant 0 : i32
    %c0_i32_1 = arith.constant 0 : i32
    return %arg0, %c0_i32, %c0_i32_0 : i32, i32, i32
  }
}

</mosaic_0001>

<sc_bundles>
// kernel: kernel.6.cloned.1.call-start
scs
__scs_entry_jumppad:
0x0: {  	(pc) =	sbr.rel $0x88, $3  }
0x1: {  	(tag) =	ssettag $0x0;
	lr =	simm.s32 $0x1  }
0x2: {  	[smem:$0x3F95] =	sst lr;
	_ =	strace $0xD0000000  }
0x3: {  	_ = 	snop  }
0x4: {  	_ = 	snop  }
0x5: {  	_ = 	snop  }
0x6: {  	_ = 	snop  }
0x7: {  	_ = 	snop  }
__scs_overlays_trampoline_lowered:
0x8: {  	[smem:$0x3FA4] =	sst s0  }
0x9: {  	[smem:$0x3FA5] =	sst s1  }
0xa: {  	[smem:$0x3FA6] =	sst s2  }
0xb: {  	[smem:$0x3FA7] =	sst s3  }
0xc: {  	[smem:$0x3FA8] =	sst s4  }
0xd: {  	[smem:$0x3FA9] =	sst s5  }
0xe: {  	[smem:$0x3FAA] =	sst s6  }
0xf: {  	[smem:$0x3FAB] =	sst s7  }
0x10: {  	[smem:$0x3FAC] =	sst s8  }
0x11: {  	[smem:$0x3FAD] =	sst s9;
	s0 =	simm.s32 @!p0 $0x0  }
0x12: {  	s1 =	sld [smem:$0x3F93];
	s0 =	simm.s32 @p0 $0x1  }
0x13: {  	[smem:$0x3FAE] =	sst s0;
	s0 =	simm.s32 @!p1 $0x0  }
0x14: {  	s2 =	sld [smem:$0x3F92];
	s0 =	simm.s32 @p1 $0x1  }
0x15: {  	[smem:$0x3FAF] =	sst s0;
	s0 =	simm.s32 @!p2 $0x0  }
0x16: {  	s3 =	sld [smem:$0x3FDB];
	s0 =	simm.s32 @p2 $0x1  }
0x17: {  	s4 =	simm.s32 $0x1BF5;
	[smem:$0x3FB1] =	sst s0  }
0x18: {  	s0 =	sld [smem:$0x3F94];
	_ =	swait.ge [sflag:s4], $0x0  }
0x19: {  	s7 =	sld [smem:$0x3F95]  }
0x1a: {  	s8 =	sadd.s32 $0xFFFFE003, lr  }
0x1b: {  	s9 =	sadd.s32 $0xFFFFFEF7, lr;
	s5 =	simm.s32 $0xFFFFFFFF;
	p2 =	slt.u32 s8, $0xFFFFF086  }
0x1c: {  	p1 =	slt.u32 s9, $0xF7A;
	s5 =	simm.s32 @!p2 $0x0  }
0x1d: {  	s5 =	simm.s32 @p1 $0x1;
	p0 =	seq.s32 s7, s2  }
0x1e: {  	s7 =	smul.u32 @!p0 $0xF7A, s2;
	p2 =	seq.s32 @!p0 s5, $0x0  }
0x1f: {  	s9 =	smul.u32 $0xF7A, s1;
	s8 =	simm.s32 @!p0 $0x1BF5;
	p2 =	por !p2, p0  }
0x20: {  	[sflag:s8] =	ssyncset.s32 @!p0 $0xFFFFF086;
	s6 =	sadd.s32 @!p0 s3, s7;
	s7 =	simm.s32 @!p0 $0x108  }
0x21: {  	s3 =	sadd.s32 s3, s9;
	s6 =	sadd.s32 @!p0 $0x88, s6;
	s7 =	simm.s32 @p2 $0x1082  }
0x22: {  	[simem:s7], [sflag:s8] =	dma.local @!p0 [hbm:s6], $0xF7A  }
0x23: {  	s9 =	sor.u32 $0xD0000000, s2;
	s6 =	simm.s32 $0x108;
	_ =	swait.ge @!p0 [sflag:s8], $0x0  }
0x24: {  	s3 =	sadd.s32 $0x88, s3;
	s6 =	simm.s32 @!p1 $0x1082;
	[sflag:s4] =	ssyncset.s32 $0xFFFFF086  }
0x25: {  	[simem:s6], [sflag:s4] =	dma.local [hbm:s3], $0xF7A  }
0x26: {  	[smem:$0x3F95] =	sst s1;
	(tag) =	ssettag s2;
	_ =	strace s9  }
0x27: {  	s1 =	sld [smem:$0x3FA5]  }
0x28: {  	s2 =	sld [smem:$0x3FA6]  }
0x29: {  	s4 =	sld [smem:$0x3FA8]  }
0x2a: {  	p0 =	seq.s32 s5, $0x0;
	s5 =	sld [smem:$0x3FA9]  }
0x2b: {  	s6 =	sld [smem:$0x3FAA]  }
0x2c: {  	s7 =	sld [smem:$0x3FAB]  }
0x2d: {  	s3 =	simm.s32 $0x108;
	s8 =	sld [smem:$0x3FAC]  }
0x2e: {  	s3 =	simm.s32 @!p0 $0x1082;
	s9 =	sld [smem:$0x3FAD]  }
0x2f: {  	lr =	sadd.s32 s0, s3;
	s0 =	sld [smem:$0x3FA4]  }
0x30: {  	s3 =	sld [smem:$0x3FA7]  }
0x31: {  	[smem:$0x3FB0] =	sst s10  }
0x32: {  	s10 =	sld [smem:$0x3FAE];
	_ =	sdelay $0x3  }
0x33: {  	p0 =	seq.s32 s10, $0x1;
	s10 =	sld [smem:$0x3FB0];
	_ =	sdelay $0x3  }
0x34: {  	[smem:$0x3FB0] =	sst s10  }
0x35: {  	s10 =	sld [smem:$0x3FAF];
	_ =	sdelay $0x3  }
0x36: {  	p1 =	seq.s32 s10, $0x1;
	s10 =	sld [smem:$0x3FB0];
	_ =	sdelay $0x3  }
0x37: {  	[smem:$0x3FB0] =	sst s10  }
0x38: {  	s10 =	sld [smem:$0x3FB1]  }
0x39: {  	_ = 	snop;
	(pc) =	sbr.ind lr, $3  }
0x3a: {  	_ = 	snop  }
0x3b: {  	_ = 	snop  }
0x3c: {  	p2 =	seq.s32 s10, $0x1;
	s10 =	sld [smem:$0x3FB0]  }
0x3d: {  	_ =	shalt  }
0x3e: {  	_ =	shalt  }
0x3f: {  	_ =	shalt  }
0x40: {  	_ =	shalt  }
0x41: {  	_ =	shalt  }
0x42: {  	_ =	shalt  }
0x43: {  	_ =	shalt  }
0x44: {  	_ =	shalt  }
0x45: {  	_ =	shalt  }
0x46: {  	_ =	shalt  }
0x47: {  	_ =	shalt  }
0x48: {  	_ =	shalt  }
0x49: {  	_ =	shalt  }
0x4a: {  	_ =	shalt  }
0x4b: {  	_ =	shalt  }
0x4c: {  	_ =	shalt  }
0x4d: {  	_ =	shalt  }
0x4e: {  	_ =	shalt  }
0x4f: {  	_ =	shalt  }
0x50: {  	_ =	shalt  }
0x51: {  	_ =	shalt  }
0x52: {  	_ =	shalt  }
0x53: {  	_ =	shalt  }
0x54: {  	_ =	shalt  }
0x55: {  	_ =	shalt  }
0x56: {  	_ =	shalt  }
0x57: {  	_ =	shalt  }
0x58: {  	_ =	shalt  }
0x59: {  	_ =	shalt  }
0x5a: {  	_ =	shalt  }
0x5b: {  	_ =	shalt  }
0x5c: {  	_ =	shalt  }
0x5d: {  	_ =	shalt  }
0x5e: {  	_ =	shalt  }
0x5f: {  	_ =	shalt  }
0x60: {  	_ =	shalt  }
0x61: {  	_ =	shalt  }
0x62: {  	_ =	shalt  }
0x63: {  	_ =	shalt  }
0x64: {  	_ =	shalt  }
0x65: {  	_ =	shalt  }
0x66: {  	_ =	shalt  }
0x67: {  	_ =	shalt  }
0x68: {  	_ =	shalt  }
0x69: {  	_ =	shalt  }
0x6a: {  	_ =	shalt  }
0x6b: {  	_ =	shalt  }
0x6c: {  	_ =	shalt  }
0x6d: {  	_ =	shalt  }
0x6e: {  	_ =	shalt  }
0x6f: {  	_ =	shalt  }
0x70: {  	_ =	shalt  }
0x71: {  	_ =	shalt  }
0x72: {  	_ =	shalt  }
0x73: {  	_ =	shalt  }
0x74: {  	_ =	shalt  }
0x75: {  	_ =	shalt  }
0x76: {  	_ =	shalt  }
0x77: {  	_ =	shalt  }
0x78: {  	_ =	shalt  }
0x79: {  	_ =	shalt  }
0x7a: {  	_ =	shalt  }
0x7b: {  	_ =	shalt  }
0x7c: {  	_ =	shalt  }
0x7d: {  	_ =	shalt  }
0x7e: {  	_ =	shalt  }
0x7f: {  	_ =	shalt  }
0x80: {  	_ =	shalt  }
0x81: {  	_ =	shalt  }
0x82: {  	_ =	shalt  }
0x83: {  	_ =	shalt  }
0x84: {  	_ =	shalt  }
0x85: {  	_ =	shalt  }
0x86: {  	_ =	shalt  }
0x87: {  	_ =	shalt  }
.Lfunc_end0:
.L_simem_size_0:
called_computation_lowered:
.L_overlay_start_0:
0x88: {  	s2 =	sld [smem:$0x3FD9]  }
0x89: {  	s3 =	sld [smem:$0x3FFE];
	_ =	sdelay $0x1  }
0x8a: {  	s1 =	srdreg.scid  }
0x8b: {  	s0 =	sand.u32 $0x1, s1  }
0x8c: {  	s17 =	sshll.u32 s0, $0xA;
	s2 =	sadd.s32 s3, s2  }
0x8d: {  	s2 =	sadd.s32 s2, s17  }
0x8e: {  	[smem:$0x3FBC] =	sst s2  }
0x8f: {  	_ = 	snop  }
0x90: {  	s2 =	sld [smem:$0x3FD0];
	(tm) =	ssettm $0x1  }
0x91: {  	s18 =	sld [smem:$0x3FFB];
	_ =	sdelay $0x3  }
0x92: {  	_ =	strace s18  }
0x93: {  	s3 =	sld [smem:$0x3FFC];
	_ =	sdelay $0x3  }
0x94: {  	_ =	strace s3  }
0x95: {  	s3 =	sld [smem:$0x3FFD];
	_ =	sdelay $0x3  }
0x96: {  	_ =	strace s3  }
0x97: {  	_ =	strace $0x8FFFFFFF  }
0x98: {  	s19 =	sld [smem:$0x3FDB];
	_ =	sdelay $0x1  }
0x99: {  	s4 =	simm.s32 $_scs_section_size  }
0x9a: {  	s5 =	simm.s32 $_size__tile_overlayer_lowered;
	s6 =	simm.s32 $_tile_overlayer_lowered  }
0x9b: {  	s22 =	simm.s32 $0x1BFF;
	s21 =	sshll.u32 s6, $0x1;
	s3 =	sadd.s32 s4, s19  }
0x9c: {  	s7 =	simm.s32 $0x0;
	s20 =	sshll.u32 s5, $0x1;
	s5 =	sadd.s32 s21, s3  }
0x9d: {  	[timem:s7], [sflag:s22] =	dma.local [hbm:s5], s20  }
0x9e: {  	_ =	swait.ge [sflag:s22], s20  }
0x9f: {  	s4 =	ssub.s32 $0x0, s20;
	[sflag:s22] =	ssyncset.done $0x0  }
0xa0: {  	[sflag:s22] =	ssyncadd.s32 s4;
	_ =	sdelay $0x1  }
0xa1: {  	s23 =	simm.s32 $0x1B8B  }
0xa2: {  	_ =	swait.ge [sflag:s23], $0x1  }
0xa3: {  	[sflag:s23] =	ssyncset.done $0x0  }
0xa4: {  	s25 =	simm.s32 $0x1B8E;
	s24 =	sld [smem:$0x3FFE];
	[sflag:s23] =	ssyncadd.s32 $0xFFFFFFFF  }
0xa5: {  	s26 =	simm.s32 $execute0_lowered;
	[smem:$0x3FD2] =	sst s25  }
0xa6: {  	s5 =	sshll.u32 s26, $0x1;
	_ =	strace $0x80000046;
	[dreg:$0x1] =	wrdreg $0xFFFFFFFF  }
0xa7: {  	s28 =	simm.s32 $_size_execute0_lowered;
	s3 =	sadd.s32 s3, s5;
	[dreg:$0x0] =	wrdreg $0x0  }
0xa8: {  	s5 =	sshll.u32 s28, $0x1;
	[dreg:$0x2] =	wrdreg s3  }
0xa9: {  	[dreg:$0x3] =	wrdreg s5  }
0xaa: {  	[dreg:$0x4] =	wrdreg $0xC0  }
0xab: {  	_ =	task [dreg:s7], $0x5FFFF  }
0xac: {  	[dreg:$0x1] =	wrdreg $0xFFFFFFFF  }
0xad: {  	[dreg:$0x0] =	wrdreg $0x60  }
0xae: {  	[dreg:$0x2] =	wrdreg s24  }
0xaf: {  	[dreg:$0x3] =	wrdreg s2  }
0xb0: {  	[dreg:$0x4] =	wrdreg $0x83000  }
0xb1: {  	[dreg:$0x5] =	wrdreg $0x1C6000  }
0xb2: {  	[dreg:$0x6] =	wrdreg $0x9  }
0xb3: {  	_ =	task.clear_ibuf [dreg:s7], $0x7FFFF;
	_ =	strace $0x90000046  }
0xb4: {  	s29 =	simm.s32 $0x9;
	_ =	strace $0x80000048  }
0xb5: {  	_ =	swait.ge [sflag:s29], $0x1  }
0xb6: {  	[sflag:s29] =	ssyncadd.s32 $0xFFFFFFFF  }
0xb7: {  	_ =	strace $0x90000048  }
0xb8: {  	_ =	sfence  }
0xb9: {  	s30 =	sld [smem:$0x0];
	_ =	sdelay $0x2  }
0xba: {  	s31 =	sshll.u32 s1, $0xD;
	s1 =	sshrl.u32 s1, $0x2  }
0xbb: {  	s3 =	sand.u32 $0x4000, s31;
	s1 =	sadd.s32 s1, s30  }
0xbc: {  	s0 =	sor.u32 s3, s0;
	s1 =	sshll.u32 s1, $0x11  }
0xbd: {  	s0 =	sor.u32 s1, s0  }
0xbe: {  	s0 =	sadd.s32 $0x8F2B, s0  }
0xbf: {  	[sflag:s0] =	ssyncadd.remote.s32 $0x1  }
0xc0: {  	_ =	sfence.sel $0xFFFF  }
0xc1: {  	[dreg:$0x0] =	wrdreg $0xFFFFFFFF;
	(pc) =	sbr.abs _section_cstart, $3  }
0xc2: {  	[dreg:$0x1] =	wrdreg $0xFFFFFFFF  }
0xc3: {  	_ =	task.clear_ibuf [dreg:s7], $0x2FFFF;
	_ =	strace $0x9FFFFFFF  }
0xc4: {  	(tm) =	ssettm $0x7FFFFFFF  }
0xc5: {  	_ =	shalt  }
tec
execute0_lowered:
.L_overlay_start_1:
0x0: {  	(tag) =	ssettag $0x1  }
0x1: {  	s2 =	rddreg [dreg:$0x0]  }
0x2: {  	s1 =	rddreg [dreg:$0x1]  }
0x3: {  	s0 =	srdreg.scid;
	s15 =	stileid.u32  }
0x4: {  	s3 =	rddreg [dreg:$0x2];
	s8 =	smul.u32 $0x14000, s15  }
0x5: {  	s4 =	rddreg [dreg:$0x3];
	s19 =	smul.u32 $0x500, s15  }
0x6: {  	s5 =	simm.s32 $0x0;
	s31 =	simm.s32 $0x1C300;
	s21 =	smul.u32 $0x50000, s15  }
0x7: {  	s30 =	simm.s32 $0x0;
	s7 =	sand.u32 $0x1, s0;
	s24 =	smul.u32 $0xA00, s15  }
0x8: {  	[smem:$0x7FF] =	sst s5;
	s11 =	sshll.u32 s15, $0x1;
	s6 =	smul.u32 $0x140000, s7  }
0x9: {  	_ =	strace $0x80000047;
	s10 =	sshll.u32 s7, $0x7;
	s12 =	sor.u32 s7, s11  }
0xa: {  	s20 =	ssub.s32 $0x2, s7;
	[dreg:$0x6] =	wrdreg s31;
	s14 =	smul.u32 $0xA00, s12  }
0xb: {  	s22 =	sshrl.u32 s20, $0x1;
	s23 =	sshrl.u32 s21, $0x2;
	s15 =	smul.u32 $0x50, s12  }
0xc: {  	s6 =	sadd.s32 s8, s6;
	s8 =	sor.u32 s10, s19;
	s18 =	ssub.s32 s20, s22  }
0xd: {  	s19 =	simm.s32 $0x300;
	s20 =	simm.s32 $0x4;
	s9 =	sshrl.u32 s6, $0x3  }
0xe: {  	s6 =	sadd.s32 $0x3400, s2;
	s8 =	sshrl.u32 s8, $0x3;
	s14 =	sadd.s32 s1, s14  }
0xf: {  	[dreg:$0x5] =	wrdreg s15;
	s18 =	smax.u32 s18, $0x1;
	s16 =	sadd.s32 s9, s2  }
0x10: {  	s17 =	sadd.s32 s8, s2;
	s2 =	sadd.s32 $0x2A500, s2;
	s8 =	sadd.s32 s23, s3  }
0x11: {  	s15 =	sadd.s32 $0x20, s14;
	[dreg:$0x7] =	wrdreg s2;
	s25 =	sadd.s32 $0x4000, s8  }
0x12: {  	s23 =	simm.s32 $0x80;
	s26 =	sadd.s32 $0x8000, s8;
	[dreg:$0x8] =	wrdreg s25  }
0x13: {  	s28 =	sadd.s32 $0xC000, s8;
	s2 =	sshrl.u32 s24, $0x2;
	[dreg:$0x9] =	wrdreg s26  }
0x14: {  	s29 =	sadd.s32 $0x10000, s8;
	s16 =	sadd.s32 $0x2BE00, s16;
	[dreg:$0xa] =	wrdreg s28  }
0x15: {  	s17 =	sadd.s32 $0x2B400, s17;
	s24 =	simm.s32 $0x1;
	[dreg:$0xb] =	wrdreg s29  }
0x16: {  	v0 =	vimm.f32 $1.000000000e+00;
	v1 =	vimm.f32 $0.0e+00;
	s13 =	sadd.s32 s2, s4;
	s25 =	simm.s32 $0x2;
	s26 =	simm.s32 $0x3  }
.LBB2_1:
0x17: {  	s0 =	rddreg [dreg:$0x7]  }
0x18: {  	[tilespmem:s19], [sflag:$0x4] =	stream.linear.gather [hbm4b:s0+s5], $0x4000, $0x38;
	[tilespmem:$0x1C880] =	vst v63  }
0x19: {  	_ =	swait.ge [sflag:s20], $0x4000  }
0x1a: {  	[sflag:s20] =	ssyncset.done $0x0  }
0x1b: {  	[sflag:s20] =	ssyncadd.s32 $0xFFFFC000  }
0x1c: {  	[spmem:s8] =	stream.linear.scatter [tilespmem:s19], [sflag:$0x4], $0x4000, $0x38;
	[tilespmem:$0x1C880] =	vst v63  }
0x1d: {  	_ =	swait.ge [sflag:s20], $0x4000  }
0x1e: {  	[sflag:s20] =	ssyncset.done $0x0  }
0x1f: {  	s22 =	rddreg [dreg:$0x8];
	[sflag:s20] =	ssyncadd.s32 $0xFFFFC000  }
0x20: {  	[spmem:s22] =	stream.linear.scatter [tilespmem:s19], [sflag:$0x4], $0x4000, $0x38;
	[tilespmem:$0x1C880] =	vst v63  }
0x21: {  	_ =	swait.ge [sflag:s20], $0x4000  }
0x22: {  	[sflag:s20] =	ssyncset.done $0x0  }
0x23: {  	s2 =	rddreg [dreg:$0x9];
	[sflag:s20] =	ssyncadd.s32 $0xFFFFC000  }
0x24: {  	[spmem:s2] =	stream.linear.scatter [tilespmem:s19], [sflag:$0x4], $0x4000, $0x38;
	[tilespmem:$0x1C880] =	vst v63  }
0x25: {  	_ =	swait.ge [sflag:s20], $0x4000  }
0x26: {  	[sflag:s20] =	ssyncset.done $0x0  }
0x27: {  	s7 =	rddreg [dreg:$0xa];
	[sflag:s20] =	ssyncadd.s32 $0xFFFFC000  }
0x28: {  	[spmem:s7] =	stream.linear.scatter [tilespmem:s19], [sflag:$0x4], $0x4000, $0x38;
	[tilespmem:$0x1C880] =	vst v63  }
0x29: {  	_ =	swait.ge [sflag:s20], $0x4000  }
0x2a: {  	[sflag:s20] =	ssyncset.done $0x0  }
0x2b: {  	s9 =	rddreg [dreg:$0xb];
	[sflag:s20] =	ssyncadd.s32 $0xFFFFC000  }
0x2c: {  	[spmem:s9] =	stream.linear.scatter [tilespmem:s19], [sflag:$0x4], $0x4000, $0x38;
	[tilespmem:$0x1C880] =	vst v63  }
0x2d: {  	_ =	swait.ge [sflag:s20], $0x4000  }
0x2e: {  	[sflag:s20] =	ssyncset.done $0x0  }
0x2f: {  	[sflag:s20] =	ssyncadd.s32 $0xFFFFC000  }
0x30: {  	[tilespmem:$0x1C300] =	vst v0  }
0x31: {  	[tilespmem:$0x1C310] =	vst v0  }
0x32: {  	[tilespmem:$0x1C320] =	vst v0  }
0x33: {  	[tilespmem:$0x1C330] =	vst v0  }
0x34: {  	[tilespmem:$0x1C340] =	vst v0  }
0x35: {  	[tilespmem:$0x1C350] =	vst v0  }
0x36: {  	[tilespmem:$0x1C360] =	vst v0  }
0x37: {  	[tilespmem:$0x1C370] =	vst v0  }
0x38: {  	[tilespmem:$0x1C380] =	vst v1  }
0x39: {  	[tilespmem:$0x1C390] =	vst v1  }
0x3a: {  	[tilespmem:$0x1C3A0] =	vst v1  }
0x3b: {  	[tilespmem:$0x1C3B0] =	vst v1  }
0x3c: {  	[tilespmem:$0x1C3C0] =	vst v1  }
0x3d: {  	[tilespmem:$0x1C3D0] =	vst v1  }
0x3e: {  	[tilespmem:$0x1C3E0] =	vst v1  }
0x3f: {  	[tilespmem:$0x1C3F0] =	vst v1  }
0x40: {  	[tilespmem:$0x1C400] =	vst v1  }
0x41: {  	[tilespmem:$0x1C410] =	vst v1  }
0x42: {  	[tilespmem:$0x1C420] =	vst v1  }
0x43: {  	[tilespmem:$0x1C430] =	vst v1  }
0x44: {  	[tilespmem:$0x1C440] =	vst v1  }
0x45: {  	[tilespmem:$0x1C450] =	vst v1  }
0x46: {  	[tilespmem:$0x1C460] =	vst v1  }
0x47: {  	[tilespmem:$0x1C470] =	vst v1  }
0x48: {  	[tilespmem:$0x1C480] =	vst v1  }
0x49: {  	[tilespmem:$0x1C490] =	vst v1  }
0x4a: {  	[tilespmem:$0x1C4A0] =	vst v1  }
0x4b: {  	[tilespmem:$0x1C4B0] =	vst v1  }
0x4c: {  	[tilespmem:$0x1C4C0] =	vst v1  }
0x4d: {  	[tilespmem:$0x1C4D0] =	vst v1  }
0x4e: {  	[tilespmem:$0x1C4E0] =	vst v1  }
0x4f: {  	[tilespmem:$0x1C4F0] =	vst v1  }
0x50: {  	[tilespmem:$0x1C500] =	vst v1  }
0x51: {  	[tilespmem:$0x1C510] =	vst v1  }
0x52: {  	[tilespmem:$0x1C520] =	vst v1  }
0x53: {  	[tilespmem:$0x1C530] =	vst v1  }
0x54: {  	[tilespmem:$0x1C540] =	vst v1  }
0x55: {  	[tilespmem:$0x1C550] =	vst v1  }
0x56: {  	[tilespmem:$0x1C560] =	vst v1  }
0x57: {  	[tilespmem:$0x1C570] =	vst v1  }
0x58: {  	[tilespmem:$0x1C580] =	vst v1  }
0x59: {  	[tilespmem:$0x1C590] =	vst v1  }
0x5a: {  	[tilespmem:$0x1C5A0] =	vst v1  }
0x5b: {  	[tilespmem:$0x1C5B0] =	vst v1  }
0x5c: {  	[tilespmem:$0x1C5C0] =	vst v1  }
0x5d: {  	[tilespmem:$0x1C5D0] =	vst v1  }
0x5e: {  	[tilespmem:$0x1C5E0] =	vst v1  }
0x5f: {  	s10 =	simm.s32 $0x1C380;
	s11 =	simm.s32 $0x100;
	s28 =	simm.s32 $0x10000;
	[tilespmem:$0x1C5F0] =	vst v1  }
0x60: {  	[spmem:s13] =	stream.linear.scatter [tilespmem:s10], [sflag:$0x4], $0x280, $0x38;
	[tilespmem:$0x1C880] =	vst v63  }
0x61: {  	s29 =	smin.u32 s25, $0x4F;
	s2 =	smul.u32 $0xAB, s25;
	_ =	swait.ge [sflag:s20], $0x280  }
0x62: {  	s12 =	simm.s32 $0x0;
	s28 =	sand.u32 $0x10000, s28;
	[sflag:s20] =	ssyncset.done $0x0  }
0x63: {  	s21 =	sadd.s32 $0xFFFFFF55, s2;
	s22 =	sadd.s32 $0xFFFFFEAA, s2;
	[sflag:s20] =	ssyncadd.s32 $0xFFFFFD80  }
0x64: {  	[tilespmem:s5], [sflag:$0x4] =	stream.linear.gather [hbm4b:s14+s5], $0x100, $0x38;
	[tilespmem:$0x1C880] =	vst v63  }
0x65: {  	s2 =	sshrl.u32 s2, $0x9;
	s21 =	sshrl.u32 s21, $0x9;
	_ =	swait.ge [sflag:s20], $0x100  }
0x66: {  	s22 =	sshrl.u32 s22, $0x9;
	s2 =	sand.u32 $0x7F, s2;
	[sflag:s20] =	ssyncset.done $0x0  }
0x67: {  	s21 =	sand.u32 $0x7F, s21;
	s2 =	smul.u32 $0x3, s2;
	[sflag:s20] =	ssyncadd.s32 $0xFFFFFF00  }
0x68: {  	[tilespmem:s11], [sflag:$0x2] =	stream.linear.gather [hbm4b:s15+s5], $0x100, $0x38;
	[tilespmem:$0x1C880] =	vst v63  }
0x69: {  	s28 =	sshrl.u32 s28, $0x2;
	s22 =	sand.u32 $0x7F, s22;
	s21 =	smul.u32 $0x3, s21  }
0x6a: {  	[tilespmem:s19], [sflag:$0x1] =	stream.indirect.gather [hbm4b:s6+s23], $0x80, s5, s23, $0xb8;
	[tilespmem:$0x1C880] =	vst v63  }
0x6b: {  	s28 =	sor.u32 $0x300, s28;
	s22 =	smul.u32 $0x3, s22;
	[bflag:$0x0] =	sbarrier.arrive $0xFFFF  }
0x6c: {  	s2 =	ssub.s32 $0x2, s2;
	s21 =	sxor.u32 $0xFFFFFFFF, s21;
	_ =	swait.ge [sflag:s24], $0x4000  }
0x6d: {  	s22 =	ssub.s32 $0x2, s22;
	s2 =	sand.u32 $0xFF, s2;
	[sflag:s24] =	ssyncset.done $0x0  }
0x6e: {  	s21 =	sadd.s32 $0x2, s21;
	s22 =	sadd.s32 $0xFFFFFFFE, s22;
	[sflag:s24] =	ssyncadd.s32 $0xFFFFC000  }
0x6f: {  	s2 =	sshll.u32 s2, $0x8;
	s21 =	sand.u32 $0xFF, s21;
	_ =	swait.ge [sflag:s25], $0x100  }
0x70: {  	s22 =	sand.u32 $0xFF, s22;
	s21 =	sshll.u32 s21, $0x8;
	s31 =	rddreg [dreg:$0x5]  }
0x71: {  	s22 =	sshll.u32 s22, $0x8;
	[sflag:s25] =	ssyncset.done $0x0;
	s29 =	sadd.s32 s31, s29  }
0x72: {  	s22 =	sor.u32 $0x80, s22;
	[sflag:s25] =	ssyncadd.s32 $0xFFFFFF00;
	s29 =	sshll.u32 s29, $0x5  }
0x73: {  	[tilespmem:s28], [sflag:$0x1] =	stream.indirect.gather [hbm4b:s6+s23], $0x80, s21, s23, $0xb8;
	[tilespmem:$0x1C880] =	vst v63  }
0x74: {  	s31 =	simm.s32 $0x20000;
	s21 =	sand.u32 $0x10000, s12;
	s29 =	sadd.s32 s1, s29  }
0x75: {  	[tilespmem:s2], [sflag:$0x2] =	stream.linear.gather [hbm4b:s29+s5], $0x100, $0x38;
	[tilespmem:$0x1C880] =	vst v63  }
0x76: {  	s28 =	rddreg [dreg:$0x6];
	s2 =	simm.s32 $0x3;
	s29 =	sshrl.u32 s21, $0x2  }
0x77: {  	[spmem:s4] =	stream.indirect.scatter.add.f32 [tilespmem:s28], [sflag:$0x3], $0x1, s22, s23, $0xb8;
	[tilespmem:$0x1C880] =	vst v63  }
0x78: {  	s21 =	simm.s32 $0x4;
	s29 =	sor.u32 $0x300, s29;
	s28 =	smul.u32 $0xAB, s2  }
.LBB2_2:
0x79: {  	[spmem:s3] =	stream.indirect.scatter.add.f32 [tilespmem:s29], [sflag:$0x4], $0x80, s22, s23, $0xb8;
	[tilespmem:$0x1C880] =	vst v63  }
0x7a: {  	s22 =	smov.u32 s21;
	s29 =	smul.u32 $0xAB, s21;
	s0 =	sshrl.u32 s28, $0x9  }
0x7b: {  	s7 =	sadd.s32 $0xFFFFFF55, s28;
	s28 =	sadd.s32 $0xFFFFFEAA, s28;
	s9 =	sadd.s32 $0x1, s21  }
0x7c: {  	s10 =	smin.u32 s2, $0x4F;
	s11 =	sand.u32 $0x10000, s31;
	p0 =	sne.s32 s21, $0x51  }
0x7d: {  	s21 =	sadd.s32 $0xFFFF0000, s31;
	s31 =	sadd.s32 $0x10000, s31;
	_ =	swait.ge [sflag:s20], $0x4000  }
0x7e: {  	s7 =	sshrl.u32 s7, $0x9;
	s28 =	sshrl.u32 s28, $0x9;
	[sflag:s20] =	ssyncset.done $0x0  }
0x7f: {  	s0 =	sand.u32 $0x7F, s0;
	s11 =	sshrl.u32 s11, $0x2;
	[sflag:s20] =	ssyncadd.s32 $0xFFFFC000  }
0x80: {  	s7 =	sand.u32 $0x7F, s7;
	s0 =	smul.u32 $0x3, s0;
	_ =	swait.ge [sflag:s26], $0x80  }
0x81: {  	s28 =	sand.u32 $0x7F, s28;
	s7 =	smul.u32 $0x3, s7;
	[sflag:s26] =	ssyncset.done $0x0  }
0x82: {  	s11 =	sor.u32 $0x300, s11;
	s28 =	smul.u32 $0x3, s28;
	[sflag:s26] =	ssyncadd.s32 $0xFFFFFF80  }
0x83: {  	s0 =	ssub.s32 s2, s0;
	s7 =	sxor.u32 $0xFFFFFFFF, s7;
	_ =	swait.ge [sflag:s24], $0x4000  }
0x84: {  	s28 =	ssub.s32 s2, s28;
	s0 =	sand.u32 $0xFF, s0;
	[sflag:s24] =	ssyncset.done $0x0  }
0x85: {  	s7 =	sadd.s32 s2, s7;
	s28 =	sadd.s32 $0xFFFFFFFE, s28;
	[sflag:s24] =	ssyncadd.s32 $0xFFFFC000  }
0x86: {  	s0 =	sshll.u32 s0, $0x8;
	s7 =	sand.u32 $0xFF, s7;
	_ =	swait.ge [sflag:s25], $0x100  }
0x87: {  	s28 =	sand.u32 $0xFF, s28;
	s7 =	sshll.u32 s7, $0x8;
	s2 =	rddreg [dreg:$0x5]  }
0x88: {  	s12 =	sshll.u32 s28, $0x8;
	[sflag:s25] =	ssyncset.done $0x0;
	s2 =	sadd.s32 s2, s10  }
0x89: {  	s28 =	smov.u32 s29;
	[sflag:s25] =	ssyncadd.s32 $0xFFFFFF00;
	s10 =	sshll.u32 s2, $0x5  }
0x8a: {  	[tilespmem:s11], [sflag:$0x1] =	stream.indirect.gather [hbm4b:s6+s23], $0x80, s7, s23, $0xb8;
	[tilespmem:$0x1C880] =	vst v63  }
.Ltmp0:
0x8b: {  	s11 =	rddreg [dreg:$0x6];
	s7 =	sand.u32 $0x10000, s21;
	(pc) =	sbr.rel @p0 .LBB2_2-.Ltmp0, $4  }
0x8c: {  	s2 =	smov.u32 s22;
	s10 =	sadd.s32 s1, s10;
	s21 =	sshrl.u32 s7, $0x2  }
0x8d: {  	[tilespmem:s0], [sflag:$0x2] =	stream.linear.gather [hbm4b:s10+s5], $0x100, $0x38;
	[tilespmem:$0x1C880] =	vst v63  }
0x8e: {  	s22 =	sor.u32 $0x80, s12;
	s29 =	sor.u32 $0x300, s21;
	s21 =	smov.u32 s9  }
0x8f: {  	[spmem:s4] =	stream.indirect.scatter.add.f32 [tilespmem:s11], [sflag:$0x3], $0x1, s22, s23, $0xb8;
	[tilespmem:$0x1C880] =	vst v63  }
0x90: {  	[spmem:s3] =	stream.indirect.scatter.add.f32 [tilespmem:s29], [sflag:$0x4], $0x80, s22, s23, $0xb8;
	[tilespmem:$0x1C880] =	vst v63  }
0x91: {  	s0 =	sadd.s32 $0xFFFFFF55, s28;
	s7 =	sshrl.u32 s28, $0x9  }
0x92: {  	s9 =	sadd.s32 $0xFFFFFEAA, s28;
	s10 =	smin.u32 s2, $0x4F;
	_ =	swait.ge [sflag:s20], $0x4000  }
0x93: {  	s11 =	sand.u32 $0x10000, s31;
	s29 =	sadd.s32 $0xFFFF0000, s31;
	[sflag:s20] =	ssyncset.done $0x0  }
0x94: {  	s0 =	sshrl.u32 s0, $0x9;
	s9 =	sshrl.u32 s9, $0x9;
	[sflag:s20] =	ssyncadd.s32 $0xFFFFC000  }
0x95: {  	s7 =	sand.u32 $0x7F, s7;
	s11 =	sshrl.u32 s11, $0x2;
	_ =	swait.ge [sflag:s26], $0x80  }
0x96: {  	s0 =	sand.u32 $0x7F, s0;
	s7 =	smul.u32 $0x3, s7;
	[sflag:s26] =	ssyncset.done $0x0  }
0x97: {  	s9 =	sand.u32 $0x7F, s9;
	s0 =	smul.u32 $0x3, s0;
	[sflag:s26] =	ssyncadd.s32 $0xFFFFFF80  }
0x98: {  	s11 =	sor.u32 $0x300, s11;
	s9 =	smul.u32 $0x3, s9;
	_ =	swait.ge [sflag:s24], $0x4000  }
0x99: {  	s12 =	ssub.s32 s2, s7;
	s0 =	sxor.u32 $0xFFFFFFFF, s0;
	[sflag:s24] =	ssyncset.done $0x0  }
0x9a: {  	s9 =	ssub.s32 s2, s9;
	s0 =	sadd.s32 s2, s0;
	[sflag:s24] =	ssyncadd.s32 $0xFFFFC000  }
0x9b: {  	s9 =	sadd.s32 $0xFFFFFFFE, s9;
	s2 =	sand.u32 $0xFF, s12;
	_ =	swait.ge [sflag:s25], $0x100  }
0x9c: {  	s0 =	sand.u32 $0xFF, s0;
	s21 =	rddreg [dreg:$0x5];
	[sflag:s25] =	ssyncset.done $0x0  }
0x9d: {  	s0 =	sshll.u32 s0, $0x8;
	[sflag:s25] =	ssyncadd.s32 $0xFFFFFF00;
	s7 =	sadd.s32 s21, s10  }
0x9e: {  	[tilespmem:s11], [sflag:$0x1] =	stream.indirect.gather [hbm4b:s6+s23], $0x80, s0, s23, $0xb8;
	[tilespmem:$0x1C880] =	vst v63  }
0x9f: {  	s9 =	sand.u32 $0xFF, s9;
	s22 =	sshll.u32 s2, $0x8;
	s28 =	sshll.u32 s7, $0x5  }
0xa0: {  	s9 =	sshll.u32 s9, $0x8;
	s7 =	sand.u32 $0x10000, s29;
	s2 =	sadd.s32 s1, s28  }
0xa1: {  	[tilespmem:s22], [sflag:$0x2] =	stream.linear.gather [hbm4b:s2+s5], $0x100, $0x38;
	[tilespmem:$0x1C880] =	vst v63  }
0xa2: {  	s31 =	rddreg [dreg:$0x6];
	s11 =	sor.u32 $0x80, s9;
	s12 =	sshrl.u32 s7, $0x2  }
0xa3: {  	[spmem:s4] =	stream.indirect.scatter.add.f32 [tilespmem:s31], [sflag:$0x3], $0x1, s11, s23, $0xb8;
	[tilespmem:$0x1C880] =	vst v63  }
0xa4: {  	s2 =	sor.u32 $0x300, s12  }
0xa5: {  	[spmem:s3] =	stream.indirect.scatter.add.f32 [tilespmem:s2], [sflag:$0x4], $0x80, s11, s23, $0xb8;
	[tilespmem:$0x1C880] =	vst v63  }
0xa6: {  	_ =	swait.ge [sflag:s20], $0x4000  }
0xa7: {  	[sflag:s20] =	ssyncset.done $0x0  }
0xa8: {  	[sflag:s20] =	ssyncadd.s32 $0xFFFFC000  }
0xa9: {  	_ =	swait.ge [sflag:s26], $0x80  }
0xaa: {  	[sflag:s26] =	ssyncset.done $0x0  }
0xab: {  	[sflag:s26] =	ssyncadd.s32 $0xFFFFFF80  }
0xac: {  	_ =	swait.ge [sflag:s24], $0x4000  }
0xad: {  	[sflag:s24] =	ssyncset.done $0x0  }
0xae: {  	[sflag:s24] =	ssyncadd.s32 $0xFFFFC000  }
0xaf: {  	_ =	swait.ge [sflag:s25], $0x100  }
0xb0: {  	s21 =	stileid.u32;
	[sflag:s25] =	ssyncset.done $0x0  }
0xb1: {  	s30 =	sadd.s32 $0x1, s30;
	s0 =	sshll.u32 s21, $0x6;
	[sflag:s25] =	ssyncadd.s32 $0xFFFFFF00  }
0xb2: {  	s0 =	sor.u32 $0x1C04, s0;
	s22 =	sshrl.u32 s8, $0x3;
	[bflag:$0x0] =	sbarrier.arrive $0xFFFF  }
0xb3: {  	[hbm:s16], [sflag:s0] =	dma.local [spmem:s22], $0x2800  }
0xb4: {  	p0 =	sne.s32 s30, s18;
	_ =	swait.ge [sflag:s20], $0x2800  }
0xb5: {  	s29 =	simm.s32 $0x20;
	s28 =	sshrl.u32 s13, $0x3;
	[sflag:s20] =	ssyncset.done $0x0  }
.Ltmp1:
0xb6: {  	s31 =	simm.s32 $0x10;
	[sflag:s20] =	ssyncadd.s32 $0xFFFFD800;
	(pc) =	sbr.rel @p0 .LBB2_1-.Ltmp1, $4  }
0xb7: {  	[hbm:s17@s29], [sflag:s0] =	dma.strided [spmem:s28@s31], $0x50, s24, $0x10   }
0xb8: {  	_ =	swait.ge [sflag:s20], $0x50  }
0xb9: {  	[sflag:s20] =	ssyncset.done $0x0  }
0xba: {  	[sflag:s20] =	ssyncadd.s32 $0xFFFFFFB0  }
0xbb: {  	_ =	sfence.sel $0x180000  }
0xbc: {  	[bflag:$0x0] =	sbarrier.arrive $0xFFFF  }
0xbd: {  	_ =	strace $0x90000047  }
0xbe: {  	s0 =	stileid.u32;
	[bflag:$0x2] =	sbarrier.arrive $0xFFFF  }
0xbf: {  	p0 =	sne.s32 s0, $0x0;
	s0 =	rddreg [dreg:$0x4]  }
0xc0: {  	s0 =	sadd.s32 @!p0 $0x100000, s0  }
0xc1: {  	[sflag:s0] =	ssyncadd.tile.s32 @!p0 $0x1;
	_ =	shalt  }
.Lfunc_end2:
_tile_overlayer_lowered:
.L_overlay_start_2:
0xc2: {  	(tag) =	ssettag $0x2  }
0xc3: {  	s0 =	rddreg [dreg:$0x0];
	s2 =	stileid.u32  }
0xc4: {  	s1 =	rddreg [dreg:$0x1];
	p0 =	sne.s32 s2, $0x0  }
0xc5: {  	s3 =	rddreg [dreg:$0x2];
	[bflag:$0x3] =	sbarrier.arrive $0xFFFF;
	s2 =	simm.s32 @!p0 $0x1C04  }
0xc6: {  	[timem:s3], [sflag:s2] =	dma.local @!p0 [hbm:s0], s1  }
0xc7: {  	s0 =	simm.s32 @!p0 $0x4  }
0xc8: {  	_ =	swait.ge @!p0 [sflag:s0], s1  }
0xc9: {  	s1 =	ssub.s32 @!p0 $0x0, s1;
	[sflag:s0] =	ssyncset.done @!p0 $0x0  }
0xca: {  	[sflag:s0] =	ssyncadd.s32 @!p0 s1  }
0xcb: {  	[bflag:$0x3] =	sbarrier.arrive $0xFFFF  }
0xcc: {  	_ =	shalt  }

// kernel: kernel.9.cloned.1.call-start
scs
__scs_entry_jumppad:
0x0: {  	(pc) =	sbr.rel $0x88, $3  }
0x1: {  	(tag) =	ssettag $0x0;
	lr =	simm.s32 $0x1  }
0x2: {  	[smem:$0x3F95] =	sst lr;
	_ =	strace $0xD0000000  }
0x3: {  	_ = 	snop  }
0x4: {  	_ = 	snop  }
0x5: {  	_ = 	snop  }
0x6: {  	_ = 	snop  }
0x7: {  	_ = 	snop  }
__scs_overlays_trampoline_lowered:
0x8: {  	[smem:$0x3FA4] =	sst s0  }
0x9: {  	[smem:$0x3FA5] =	sst s1  }
0xa: {  	[smem:$0x3FA6] =	sst s2  }
0xb: {  	[smem:$0x3FA7] =	sst s3  }
0xc: {  	[smem:$0x3FA8] =	sst s4  }
0xd: {  	[smem:$0x3FA9] =	sst s5  }
0xe: {  	[smem:$0x3FAA] =	sst s6  }
0xf: {  	[smem:$0x3FAB] =	sst s7  }
0x10: {  	[smem:$0x3FAC] =	sst s8  }
0x11: {  	[smem:$0x3FAD] =	sst s9;
	s0 =	simm.s32 @!p0 $0x0  }
0x12: {  	s1 =	sld [smem:$0x3F93];
	s0 =	simm.s32 @p0 $0x1  }
0x13: {  	[smem:$0x3FAE] =	sst s0;
	s0 =	simm.s32 @!p1 $0x0  }
0x14: {  	s2 =	sld [smem:$0x3F92];
	s0 =	simm.s32 @p1 $0x1  }
0x15: {  	[smem:$0x3FAF] =	sst s0;
	s0 =	simm.s32 @!p2 $0x0  }
0x16: {  	s3 =	sld [smem:$0x3FDB];
	s0 =	simm.s32 @p2 $0x1  }
0x17: {  	s4 =	simm.s32 $0x1BF5;
	[smem:$0x3FB1] =	sst s0  }
0x18: {  	s0 =	sld [smem:$0x3F94];
	_ =	swait.ge [sflag:s4], $0x0  }
0x19: {  	s7 =	sld [smem:$0x3F95]  }
0x1a: {  	s8 =	sadd.s32 $0xFFFFE003, lr  }
0x1b: {  	s9 =	sadd.s32 $0xFFFFFEF7, lr;
	s5 =	simm.s32 $0xFFFFFFFF;
	p2 =	slt.u32 s8, $0xFFFFF086  }
0x1c: {  	p1 =	slt.u32 s9, $0xF7A;
	s5 =	simm.s32 @!p2 $0x0  }
0x1d: {  	s5 =	simm.s32 @p1 $0x1;
	p0 =	seq.s32 s7, s2  }
0x1e: {  	s7 =	smul.u32 @!p0 $0xF7A, s2;
	p2 =	seq.s32 @!p0 s5, $0x0  }
0x1f: {  	s9 =	smul.u32 $0xF7A, s1;
	s8 =	simm.s32 @!p0 $0x1BF5;
	p2 =	por !p2, p0  }
0x20: {  	[sflag:s8] =	ssyncset.s32 @!p0 $0xFFFFF086;
	s6 =	sadd.s32 @!p0 s3, s7;
	s7 =	simm.s32 @!p0 $0x108  }
0x21: {  	s3 =	sadd.s32 s3, s9;
	s6 =	sadd.s32 @!p0 $0x88, s6;
	s7 =	simm.s32 @p2 $0x1082  }
0x22: {  	[simem:s7], [sflag:s8] =	dma.local @!p0 [hbm:s6], $0xF7A  }
0x23: {  	s9 =	sor.u32 $0xD0000000, s2;
	s6 =	simm.s32 $0x108;
	_ =	swait.ge @!p0 [sflag:s8], $0x0  }
0x24: {  	s3 =	sadd.s32 $0x88, s3;
	s6 =	simm.s32 @!p1 $0x1082;
	[sflag:s4] =	ssyncset.s32 $0xFFFFF086  }
0x25: {  	[simem:s6], [sflag:s4] =	dma.local [hbm:s3], $0xF7A  }
0x26: {  	[smem:$0x3F95] =	sst s1;
	(tag) =	ssettag s2;
	_ =	strace s9  }
0x27: {  	s1 =	sld [smem:$0x3FA5]  }
0x28: {  	s2 =	sld [smem:$0x3FA6]  }
0x29: {  	s4 =	sld [smem:$0x3FA8]  }
0x2a: {  	p0 =	seq.s32 s5, $0x0;
	s5 =	sld [smem:$0x3FA9]  }
0x2b: {  	s6 =	sld [smem:$0x3FAA]  }
0x2c: {  	s7 =	sld [smem:$0x3FAB]  }
0x2d: {  	s3 =	simm.s32 $0x108;
	s8 =	sld [smem:$0x3FAC]  }
0x2e: {  	s3 =	simm.s32 @!p0 $0x1082;
	s9 =	sld [smem:$0x3FAD]  }
0x2f: {  	lr =	sadd.s32 s0, s3;
	s0 =	sld [smem:$0x3FA4]  }
0x30: {  	s3 =	sld [smem:$0x3FA7]  }
0x31: {  	[smem:$0x3FB0] =	sst s10  }
0x32: {  	s10 =	sld [smem:$0x3FAE];
	_ =	sdelay $0x3  }
0x33: {  	p0 =	seq.s32 s10, $0x1;
	s10 =	sld [smem:$0x3FB0];
	_ =	sdelay $0x3  }
0x34: {  	[smem:$0x3FB0] =	sst s10  }
0x35: {  	s10 =	sld [smem:$0x3FAF];
	_ =	sdelay $0x3  }
0x36: {  	p1 =	seq.s32 s10, $0x1;
	s10 =	sld [smem:$0x3FB0];
	_ =	sdelay $0x3  }
0x37: {  	[smem:$0x3FB0] =	sst s10  }
0x38: {  	s10 =	sld [smem:$0x3FB1]  }
0x39: {  	_ = 	snop;
	(pc) =	sbr.ind lr, $3  }
0x3a: {  	_ = 	snop  }
0x3b: {  	_ = 	snop  }
0x3c: {  	p2 =	seq.s32 s10, $0x1;
	s10 =	sld [smem:$0x3FB0]  }
0x3d: {  	_ =	shalt  }
0x3e: {  	_ =	shalt  }
0x3f: {  	_ =	shalt  }
0x40: {  	_ =	shalt  }
0x41: {  	_ =	shalt  }
0x42: {  	_ =	shalt  }
0x43: {  	_ =	shalt  }
0x44: {  	_ =	shalt  }
0x45: {  	_ =	shalt  }
0x46: {  	_ =	shalt  }
0x47: {  	_ =	shalt  }
0x48: {  	_ =	shalt  }
0x49: {  	_ =	shalt  }
0x4a: {  	_ =	shalt  }
0x4b: {  	_ =	shalt  }
0x4c: {  	_ =	shalt  }
0x4d: {  	_ =	shalt  }
0x4e: {  	_ =	shalt  }
0x4f: {  	_ =	shalt  }
0x50: {  	_ =	shalt  }
0x51: {  	_ =	shalt  }
0x52: {  	_ =	shalt  }
0x53: {  	_ =	shalt  }
0x54: {  	_ =	shalt  }
0x55: {  	_ =	shalt  }
0x56: {  	_ =	shalt  }
0x57: {  	_ =	shalt  }
0x58: {  	_ =	shalt  }
0x59: {  	_ =	shalt  }
0x5a: {  	_ =	shalt  }
0x5b: {  	_ =	shalt  }
0x5c: {  	_ =	shalt  }
0x5d: {  	_ =	shalt  }
0x5e: {  	_ =	shalt  }
0x5f: {  	_ =	shalt  }
0x60: {  	_ =	shalt  }
0x61: {  	_ =	shalt  }
0x62: {  	_ =	shalt  }
0x63: {  	_ =	shalt  }
0x64: {  	_ =	shalt  }
0x65: {  	_ =	shalt  }
0x66: {  	_ =	shalt  }
0x67: {  	_ =	shalt  }
0x68: {  	_ =	shalt  }
0x69: {  	_ =	shalt  }
0x6a: {  	_ =	shalt  }
0x6b: {  	_ =	shalt  }
0x6c: {  	_ =	shalt  }
0x6d: {  	_ =	shalt  }
0x6e: {  	_ =	shalt  }
0x6f: {  	_ =	shalt  }
0x70: {  	_ =	shalt  }
0x71: {  	_ =	shalt  }
0x72: {  	_ =	shalt  }
0x73: {  	_ =	shalt  }
0x74: {  	_ =	shalt  }
0x75: {  	_ =	shalt  }
0x76: {  	_ =	shalt  }
0x77: {  	_ =	shalt  }
0x78: {  	_ =	shalt  }
0x79: {  	_ =	shalt  }
0x7a: {  	_ =	shalt  }
0x7b: {  	_ =	shalt  }
0x7c: {  	_ =	shalt  }
0x7d: {  	_ =	shalt  }
0x7e: {  	_ =	shalt  }
0x7f: {  	_ =	shalt  }
0x80: {  	_ =	shalt  }
0x81: {  	_ =	shalt  }
0x82: {  	_ =	shalt  }
0x83: {  	_ =	shalt  }
0x84: {  	_ =	shalt  }
0x85: {  	_ =	shalt  }
0x86: {  	_ =	shalt  }
0x87: {  	_ =	shalt  }
.Lfunc_end0:
.L_simem_size_0:
called_computation.1_lowered:
.L_overlay_start_0:
0x88: {  	s2 =	sld [smem:$0x3FD9]  }
0x89: {  	s3 =	sld [smem:$0x3FFE];
	_ =	sdelay $0x1  }
0x8a: {  	s1 =	srdreg.scid  }
0x8b: {  	s0 =	sand.u32 $0x1, s1  }
0x8c: {  	s17 =	sshll.u32 s0, $0xA;
	s2 =	sadd.s32 s3, s2  }
0x8d: {  	s2 =	sadd.s32 s2, s17  }
0x8e: {  	[smem:$0x3FBC] =	sst s2  }
0x8f: {  	_ = 	snop  }
0x90: {  	s2 =	sld [smem:$0x3FD0];
	(tm) =	ssettm $0x1  }
0x91: {  	s18 =	sld [smem:$0x3FFB];
	_ =	sdelay $0x3  }
0x92: {  	_ =	strace s18  }
0x93: {  	s3 =	sld [smem:$0x3FFC];
	_ =	sdelay $0x3  }
0x94: {  	_ =	strace s3  }
0x95: {  	s3 =	sld [smem:$0x3FFD];
	_ =	sdelay $0x3  }
0x96: {  	_ =	strace s3  }
0x97: {  	_ =	strace $0x8FFFFFFF  }
0x98: {  	s19 =	sld [smem:$0x3FDB];
	_ =	sdelay $0x1  }
0x99: {  	s4 =	simm.s32 $_scs_section_size  }
0x9a: {  	s5 =	simm.s32 $_size__tile_overlayer_lowered;
	s6 =	simm.s32 $_tile_overlayer_lowered  }
0x9b: {  	s22 =	simm.s32 $0x1BFF;
	s21 =	sshll.u32 s6, $0x1;
	s3 =	sadd.s32 s4, s19  }
0x9c: {  	s7 =	simm.s32 $0x0;
	s20 =	sshll.u32 s5, $0x1;
	s5 =	sadd.s32 s21, s3  }
0x9d: {  	[timem:s7], [sflag:s22] =	dma.local [hbm:s5], s20  }
0x9e: {  	_ =	swait.ge [sflag:s22], s20  }
0x9f: {  	s4 =	ssub.s32 $0x0, s20;
	[sflag:s22] =	ssyncset.done $0x0  }
0xa0: {  	[sflag:s22] =	ssyncadd.s32 s4;
	_ =	sdelay $0x1  }
0xa1: {  	s23 =	simm.s32 $0x1B8B  }
0xa2: {  	_ =	swait.ge [sflag:s23], $0x1  }
0xa3: {  	[sflag:s23] =	ssyncset.done $0x0  }
0xa4: {  	s25 =	simm.s32 $0x1B8E;
	s24 =	sld [smem:$0x3FFE];
	[sflag:s23] =	ssyncadd.s32 $0xFFFFFFFF  }
0xa5: {  	s26 =	simm.s32 $execute0_lowered;
	[smem:$0x3FD2] =	sst s25  }
0xa6: {  	s5 =	sshll.u32 s26, $0x1;
	_ =	strace $0x80000049;
	[dreg:$0x1] =	wrdreg $0xFFFFFFFF  }
0xa7: {  	s28 =	simm.s32 $_size_execute0_lowered;
	s3 =	sadd.s32 s3, s5;
	[dreg:$0x0] =	wrdreg $0x0  }
0xa8: {  	s5 =	sshll.u32 s28, $0x1;
	[dreg:$0x2] =	wrdreg s3  }
0xa9: {  	[dreg:$0x3] =	wrdreg s5  }
0xaa: {  	[dreg:$0x4] =	wrdreg $0xC0  }
0xab: {  	_ =	task [dreg:s7], $0x5FFFF  }
0xac: {  	[dreg:$0x1] =	wrdreg $0xFFFFFFFF  }
0xad: {  	[dreg:$0x0] =	wrdreg $0x60  }
0xae: {  	[dreg:$0x2] =	wrdreg s24  }
0xaf: {  	[dreg:$0x3] =	wrdreg s2  }
0xb0: {  	[dreg:$0x4] =	wrdreg $0x83000  }
0xb1: {  	[dreg:$0x5] =	wrdreg $0x9  }
0xb2: {  	_ =	task.clear_ibuf [dreg:s7], $0x6FFFF;
	_ =	strace $0x90000049  }
0xb3: {  	s29 =	simm.s32 $0x9;
	_ =	strace $0x8000004B  }
0xb4: {  	_ =	swait.ge [sflag:s29], $0x1  }
0xb5: {  	[sflag:s29] =	ssyncadd.s32 $0xFFFFFFFF  }
0xb6: {  	_ =	strace $0x9000004B  }
0xb7: {  	_ =	sfence  }
0xb8: {  	s30 =	sld [smem:$0x0];
	_ =	sdelay $0x2  }
0xb9: {  	s31 =	sshll.u32 s1, $0xD;
	s1 =	sshrl.u32 s1, $0x2  }
0xba: {  	s3 =	sand.u32 $0x4000, s31;
	s1 =	sadd.s32 s1, s30  }
0xbb: {  	s0 =	sor.u32 s3, s0;
	s1 =	sshll.u32 s1, $0x11  }
0xbc: {  	s0 =	sor.u32 s1, s0  }
0xbd: {  	s0 =	sadd.s32 $0x8F2B, s0  }
0xbe: {  	[sflag:s0] =	ssyncadd.remote.s32 $0x1  }
0xbf: {  	_ =	sfence.sel $0xFFFF  }
0xc0: {  	[dreg:$0x0] =	wrdreg $0xFFFFFFFF;
	(pc) =	sbr.abs _section_cstart, $3  }
0xc1: {  	[dreg:$0x1] =	wrdreg $0xFFFFFFFF  }
0xc2: {  	_ =	task.clear_ibuf [dreg:s7], $0x2FFFF;
	_ =	strace $0x9FFFFFFF  }
0xc3: {  	(tm) =	ssettm $0x7FFFFFFF  }
tec
execute0_lowered:
.L_overlay_start_1:
0x0: {  	(tag) =	ssettag $0x1  }
0x1: {  	s7 =	rddreg [dreg:$0x0]  }
0x2: {  	s2 =	rddreg [dreg:$0x1];
	s0 =	srdreg.scid  }
0x3: {  	s3 =	rddreg [dreg:$0x2];
	s28 =	stileid.u32  }
0x4: {  	s4 =	simm.s32 $0x0;
	s16 =	simm.s32 $0x300;
	s17 =	simm.s32 $0x3  }
0x5: {  	s19 =	simm.s32 $0x80;
	s20 =	simm.s32 $0x1;
	s21 =	simm.s32 $0x2  }
0x6: {  	s24 =	simm.s32 $0x0;
	s6 =	sand.u32 $0x1, s0;
	s8 =	smul.u32 $0x14000, s28  }
0x7: {  	[smem:$0x7FF] =	sst s4;
	s9 =	smul.u32 $0x50000, s28;
	s10 =	sshll.u32 s28, $0x1  }
0x8: {  	s22 =	sshll.u32 s28, $0x6;
	s5 =	smul.u32 $0x140000, s6;
	_ =	strace $0x8000004A  }
0x9: {  	s29 =	ssub.s32 $0x2, s6;
	s10 =	sor.u32 s6, s10;
	s22 =	sor.u32 $0x1C03, s22  }
0xa: {  	s11 =	sshrl.u32 s29, $0x1;
	s30 =	sshrl.u32 s9, $0x2;
	s31 =	smul.u32 $0xA00, s10  }
0xb: {  	s13 =	smul.u32 $0x50, s10;
	s8 =	sadd.s32 s8, s5;
	s5 =	sadd.s32 $0x3400, s7  }
0xc: {  	s15 =	ssub.s32 s29, s11;
	s6 =	sadd.s32 s30, s3;
	s8 =	sshrl.u32 s8, $0x3  }
0xd: {  	s9 =	sadd.s32 $0x8000, s6;
	s10 =	sadd.s32 $0xC000, s6;
	s11 =	sadd.s32 s2, s31  }
0xe: {  	s12 =	sadd.s32 $0x10000, s6;
	[dreg:$0x4] =	wrdreg s13;
	s15 =	smax.u32 s15, $0x1  }
0xf: {  	s23 =	sshrl.u32 s6, $0x3;
	s14 =	sadd.s32 s8, s7;
	s7 =	sadd.s32 $0x2A500, s7  }
0x10: {  	s8 =	sadd.s32 $0x4000, s6;
	s13 =	sadd.s32 $0x20, s11;
	s14 =	sadd.s32 $0x2B400, s14  }
.LBB2_1:
0x11: {  	[tilespmem:s16], [sflag:$0x3] =	stream.linear.gather [hbm4b:s7+s4], $0x4000, $0x38;
	[tilespmem:$0x1C300] =	vst v63  }
0x12: {  	_ =	swait.ge [sflag:s17], $0x4000  }
0x13: {  	[sflag:s17] =	ssyncset.done $0x0  }
0x14: {  	[sflag:s17] =	ssyncadd.s32 $0xFFFFC000  }
0x15: {  	[spmem:s6] =	stream.linear.scatter [tilespmem:s16], [sflag:$0x3], $0x4000, $0x38;
	[tilespmem:$0x1C300] =	vst v63  }
0x16: {  	_ =	swait.ge [sflag:s17], $0x4000  }
0x17: {  	[sflag:s17] =	ssyncset.done $0x0  }
0x18: {  	[sflag:s17] =	ssyncadd.s32 $0xFFFFC000  }
0x19: {  	[spmem:s8] =	stream.linear.scatter [tilespmem:s16], [sflag:$0x3], $0x4000, $0x38;
	[tilespmem:$0x1C300] =	vst v63  }
0x1a: {  	_ =	swait.ge [sflag:s17], $0x4000  }
0x1b: {  	[sflag:s17] =	ssyncset.done $0x0  }
0x1c: {  	[sflag:s17] =	ssyncadd.s32 $0xFFFFC000  }
0x1d: {  	[spmem:s9] =	stream.linear.scatter [tilespmem:s16], [sflag:$0x3], $0x4000, $0x38;
	[tilespmem:$0x1C300] =	vst v63  }
0x1e: {  	_ =	swait.ge [sflag:s17], $0x4000  }
0x1f: {  	[sflag:s17] =	ssyncset.done $0x0  }
0x20: {  	[sflag:s17] =	ssyncadd.s32 $0xFFFFC000  }
0x21: {  	[spmem:s10] =	stream.linear.scatter [tilespmem:s16], [sflag:$0x3], $0x4000, $0x38;
	[tilespmem:$0x1C300] =	vst v63  }
0x22: {  	_ =	swait.ge [sflag:s17], $0x4000  }
0x23: {  	[sflag:s17] =	ssyncset.done $0x0  }
0x24: {  	[sflag:s17] =	ssyncadd.s32 $0xFFFFC000  }
0x25: {  	[spmem:s12] =	stream.linear.scatter [tilespmem:s16], [sflag:$0x3], $0x4000, $0x38;
	[tilespmem:$0x1C300] =	vst v63  }
0x26: {  	s0 =	simm.s32 $0x100;
	_ =	swait.ge [sflag:s17], $0x4000  }
0x27: {  	s26 =	smul.u32 $0xAB, s21;
	s25 =	simm.s32 $0x10000;
	[sflag:s17] =	ssyncset.done $0x0  }
0x28: {  	s28 =	smin.u32 s21, $0x4F;
	s31 =	sand.u32 $0x10000, s25;
	[sflag:s17] =	ssyncadd.s32 $0xFFFFC000  }
0x29: {  	[tilespmem:s4], [sflag:$0x3] =	stream.linear.gather [hbm4b:s11+s4], $0x100, $0x38;
	[tilespmem:$0x1C300] =	vst v63  }
0x2a: {  	s29 =	sadd.s32 $0xFFFFFF55, s26;
	s30 =	sshrl.u32 s26, $0x9;
	_ =	swait.ge [sflag:s17], $0x100  }
0x2b: {  	s26 =	sadd.s32 $0xFFFFFEAA, s26;
	s31 =	sshrl.u32 s31, $0x2;
	[sflag:s17] =	ssyncset.done $0x0  }
0x2c: {  	s29 =	sshrl.u32 s29, $0x9;
	s30 =	sand.u32 $0x7F, s30;
	[sflag:s17] =	ssyncadd.s32 $0xFFFFFF00  }
0x2d: {  	[tilespmem:s0], [sflag:$0x2] =	stream.linear.gather [hbm4b:s13+s4], $0x100, $0x38;
	[tilespmem:$0x1C300] =	vst v63  }
0x2e: {  	s26 =	sshrl.u32 s26, $0x9;
	s29 =	sand.u32 $0x7F, s29;
	s30 =	smul.u32 $0x3, s30  }
0x2f: {  	[tilespmem:s16], [sflag:$0x1] =	stream.indirect.gather [hbm4b:s5+s19], $0x80, s4, s19, $0xb8;
	[tilespmem:$0x1C300] =	vst v63  }
0x30: {  	s26 =	sand.u32 $0x7F, s26;
	s29 =	smul.u32 $0x3, s29;
	[bflag:$0x0] =	sbarrier.arrive $0xFFFF  }
0x31: {  	s31 =	sor.u32 $0x300, s31;
	s26 =	smul.u32 $0x3, s26;
	_ =	swait.ge [sflag:s20], $0x4000  }
0x32: {  	s30 =	ssub.s32 $0x2, s30;
	s29 =	sxor.u32 $0xFFFFFFFF, s29;
	[sflag:s20] =	ssyncset.done $0x0  }
0x33: {  	s26 =	ssub.s32 $0x2, s26;
	s29 =	sadd.s32 $0x2, s29;
	[sflag:s20] =	ssyncadd.s32 $0xFFFFC000  }
0x34: {  	s26 =	sadd.s32 $0xFFFFFFFE, s26;
	s29 =	sand.u32 $0xFF, s29;
	_ =	swait.ge [sflag:s21], $0x100  }
0x35: {  	s26 =	sand.u32 $0xFF, s26;
	[sflag:s21] =	ssyncset.done $0x0;
	s18 =	rddreg [dreg:$0x4]  }
0x36: {  	s29 =	sshll.u32 s29, $0x8;
	[sflag:s21] =	ssyncadd.s32 $0xFFFFFF00;
	s0 =	sadd.s32 s18, s28  }
0x37: {  	[tilespmem:s31], [sflag:$0x1] =	stream.indirect.gather [hbm4b:s5+s19], $0x80, s29, s19, $0xb8;
	[tilespmem:$0x1C300] =	vst v63  }
0x38: {  	s28 =	sand.u32 $0xFF, s30;
	s29 =	simm.s32 $0x0;
	s0 =	sshll.u32 s0, $0x5  }
0x39: {  	s28 =	sshll.u32 s28, $0x8;
	s29 =	sand.u32 $0x10000, s29;
	s0 =	sadd.s32 s2, s0  }
0x3a: {  	[tilespmem:s28], [sflag:$0x2] =	stream.linear.gather [hbm4b:s0+s4], $0x100, $0x38;
	[tilespmem:$0x1C300] =	vst v63  }
0x3b: {  	s31 =	sshrl.u32 s29, $0x2;
	s29 =	sshll.u32 s26, $0x8  }
0x3c: {  	s26 =	simm.s32 $0x3;
	s28 =	sor.u32 $0x300, s31;
	s29 =	sor.u32 $0x80, s29  }
.LBB2_2:
0x3d: {  	p0 =	sne.s32 s26, $0x51;
	s25 =	sadd.s32 $0x10000, s25  }
0x3e: {  	[spmem:s3] =	stream.indirect.scatter.add.f32 [tilespmem:s28], [sflag:$0x3], $0x80, s29, s19, $0xb8;
	[tilespmem:$0x1C300] =	vst v63  }
0x3f: {  	s0 =	smov.u32 s26;
	s26 =	sadd.s32 $0x1, s26;
	_ =	swait.ge [sflag:s17], $0x4000  }
0x40: {  	s28 =	smul.u32 $0xAB, s0;
	s1 =	sand.u32 $0x10000, s25;
	[sflag:s17] =	ssyncset.done $0x0  }
0x41: {  	s29 =	smin.u32 s0, $0x4F;
	s1 =	sshrl.u32 s1, $0x2;
	[sflag:s17] =	ssyncadd.s32 $0xFFFFC000  }
0x42: {  	s30 =	sadd.s32 $0xFFFFFF55, s28;
	s31 =	sshrl.u32 s28, $0x9;
	s28 =	sadd.s32 $0xFFFFFEAA, s28  }
0x43: {  	s1 =	sor.u32 $0x300, s1;
	s30 =	sshrl.u32 s30, $0x9;
	_ =	swait.ge [sflag:s20], $0x4000  }
0x44: {  	s28 =	sshrl.u32 s28, $0x9;
	s30 =	sand.u32 $0x7F, s30;
	[sflag:s20] =	ssyncset.done $0x0  }
0x45: {  	s28 =	sand.u32 $0x7F, s28;
	s30 =	smul.u32 $0x3, s30;
	[sflag:s20] =	ssyncadd.s32 $0xFFFFC000  }
0x46: {  	s31 =	sand.u32 $0x7F, s31;
	s28 =	smul.u32 $0x3, s28;
	_ =	swait.ge [sflag:s21], $0x100  }
0x47: {  	s31 =	smul.u32 $0x3, s31;
	s30 =	sxor.u32 $0xFFFFFFFF, s30;
	[sflag:s21] =	ssyncset.done $0x0  }
0x48: {  	s18 =	rddreg [dreg:$0x4];
	s28 =	ssub.s32 s0, s28;
	s30 =	sadd.s32 s0, s30  }
0x49: {  	s28 =	sadd.s32 $0xFFFFFFFE, s28;
	[sflag:s21] =	ssyncadd.s32 $0xFFFFFF00;
	s30 =	sand.u32 $0xFF, s30  }
0x4a: {  	s0 =	ssub.s32 s0, s31;
	s18 =	sadd.s32 s18, s29;
	s30 =	sshll.u32 s30, $0x8  }
0x4b: {  	[tilespmem:s1], [sflag:$0x1] =	stream.indirect.gather [hbm4b:s5+s19], $0x80, s30, s19, $0xb8;
	[tilespmem:$0x1C300] =	vst v63  }
.Ltmp0:
0x4c: {  	s31 =	sadd.s32 $0xFFFF0000, s25;
	s28 =	sand.u32 $0xFF, s28;
	(pc) =	sbr.rel @p0 .LBB2_2-.Ltmp0, $4  }
0x4d: {  	s0 =	sand.u32 $0xFF, s0;
	s18 =	sshll.u32 s18, $0x5;
	s1 =	sand.u32 $0x10000, s31  }
0x4e: {  	s0 =	sshll.u32 s0, $0x8;
	s29 =	sshll.u32 s28, $0x8;
	s1 =	sshrl.u32 s1, $0x2  }
0x4f: {  	s18 =	sadd.s32 s2, s18;
	s29 =	sor.u32 $0x80, s29;
	s28 =	sor.u32 $0x300, s1  }
0x50: {  	[tilespmem:s0], [sflag:$0x2] =	stream.linear.gather [hbm4b:s18+s4], $0x100, $0x38;
	[tilespmem:$0x1C300] =	vst v63  }
0x51: {  	[spmem:s3] =	stream.indirect.scatter.add.f32 [tilespmem:s28], [sflag:$0x3], $0x80, s29, s19, $0xb8;
	[tilespmem:$0x1C300] =	vst v63  }
0x52: {  	_ =	swait.ge [sflag:s17], $0x4000  }
0x53: {  	[sflag:s17] =	ssyncset.done $0x0  }
0x54: {  	[sflag:s17] =	ssyncadd.s32 $0xFFFFC000  }
0x55: {  	_ =	swait.ge [sflag:s20], $0x4000  }
0x56: {  	[sflag:s20] =	ssyncset.done $0x0  }
0x57: {  	[sflag:s20] =	ssyncadd.s32 $0xFFFFC000  }
0x58: {  	_ =	swait.ge [sflag:s21], $0x100  }
0x59: {  	s24 =	sadd.s32 $0x1, s24;
	[sflag:s21] =	ssyncset.done $0x0  }
0x5a: {  	p0 =	sne.s32 s24, s15;
	[sflag:s21] =	ssyncadd.s32 $0xFFFFFF00  }
.Ltmp1:
0x5b: {  	[bflag:$0x0] =	sbarrier.arrive $0xFFFF;
	(pc) =	sbr.rel @p0 .LBB2_1-.Ltmp1, $4  }
0x5c: {  	[hbm:s14], [sflag:s22] =	dma.local [spmem:s23], $0x2800  }
0x5d: {  	_ =	swait.ge [sflag:s17], $0x2800  }
0x5e: {  	[sflag:s17] =	ssyncset.done $0x0  }
0x5f: {  	[sflag:s17] =	ssyncadd.s32 $0xFFFFD800  }
0x60: {  	_ =	sfence.sel $0x180000  }
0x61: {  	[bflag:$0x0] =	sbarrier.arrive $0xFFFF  }
0x62: {  	_ =	strace $0x9000004A  }
0x63: {  	s0 =	stileid.u32;
	[bflag:$0x2] =	sbarrier.arrive $0xFFFF  }
0x64: {  	p0 =	sne.s32 s0, $0x0;
	s0 =	rddreg [dreg:$0x3]  }
0x65: {  	s0 =	sadd.s32 @!p0 $0x100000, s0  }
0x66: {  	[sflag:s0] =	ssyncadd.tile.s32 @!p0 $0x1;
	_ =	shalt  }
.Lfunc_end2:
_tile_overlayer_lowered:
.L_overlay_start_2:
0x67: {  	(tag) =	ssettag $0x2  }
0x68: {  	s0 =	rddreg [dreg:$0x0];
	s2 =	stileid.u32  }
0x69: {  	s1 =	rddreg [dreg:$0x1];
	p0 =	sne.s32 s2, $0x0  }
0x6a: {  	s3 =	rddreg [dreg:$0x2];
	[bflag:$0x3] =	sbarrier.arrive $0xFFFF;
	s2 =	simm.s32 @!p0 $0x1C03  }
0x6b: {  	[timem:s3], [sflag:s2] =	dma.local @!p0 [hbm:s0], s1  }
0x6c: {  	s0 =	simm.s32 @!p0 $0x3  }
0x6d: {  	_ =	swait.ge @!p0 [sflag:s0], s1  }
0x6e: {  	s1 =	ssub.s32 @!p0 $0x0, s1;
	[sflag:s0] =	ssyncset.done @!p0 $0x0  }
0x6f: {  	[sflag:s0] =	ssyncadd.s32 @!p0 s1  }
0x70: {  	[bflag:$0x3] =	sbarrier.arrive $0xFFFF  }
0x71: {  	_ =	shalt  }

</sc_bundles>
